<compile_context>
chip_gen: v7x
topology: tpu7x:2x2x1
jax: 0.10.2.dev20260603
libtpu: 0.0.44.dev20260713+nightly
codegen_flags: <defaults>
</compile_context>

<pallas_src>
import functools

import jax
import jax.numpy as jnp
from jax import lax
from jax.experimental import pallas as pl
from jax.experimental.pallas import tpu as pltpu
from jax.experimental.pallas import tpu_sc as plsc

BATCH = 16384
DIM = 32
LANES = 16

_info = plsc.get_sparse_core_info()
NC, NS = _info.num_cores, _info.num_subcores
NW = NC * NS
B_PER_W = BATCH // NW
CHUNK = 128
N_CHUNKS = B_PER_W // CHUNK
GROUPS = B_PER_W // LANES


def _gmf_body(users_hbm, items_hbm, ut_hbm, it_hbm, w_hbm, b_hbm, out_hbm,
              uidx_v, iidx_v, urows_v, irows_v, w_v, b_v, tile_v, out_v, sem):
    wid = lax.axis_index("s") * NC + lax.axis_index("c")
    base = wid * B_PER_W

    pltpu.sync_copy(users_hbm.at[pl.ds(base, B_PER_W)], uidx_v)
    pltpu.sync_copy(items_hbm.at[pl.ds(base, B_PER_W)], iidx_v)
    pltpu.sync_copy(w_hbm, w_v)
    pltpu.sync_copy(b_hbm, b_v)

    copies = []
    for c in range(N_CHUNKS):
        sl = pl.ds(c * CHUNK, CHUNK)
        copies.append(pltpu.async_copy(ut_hbm.at[uidx_v.at[sl]], urows_v.at[sl], sem))
        copies.append(pltpu.async_copy(it_hbm.at[iidx_v.at[sl]], irows_v.at[sl], sem))
    for cp in copies:
        cp.wait()

    w0 = w_v[pl.ds(0, LANES)]
    w1 = w_v[pl.ds(LANES, LANES)]
    bias = b_v[...]
    lane = lax.broadcasted_iota(jnp.int32, (LANES,), 0)

    def group_body(g, _):
        row0 = g * LANES
        for r in range(LANES):
            row = row0 + r
            ua = urows_v[row, pl.ds(0, LANES)]
            ub = urows_v[row, pl.ds(LANES, LANES)]
            ia = irows_v[row, pl.ds(0, LANES)]
            ib = irows_v[row, pl.ds(LANES, LANES)]
            part = ua * ia * w0 + ub * ib * w1
            plsc.store_scatter(tile_v, [lane, jnp.full((LANES,), r, jnp.int32)], part)
        acc = tile_v[0, pl.ds(0, LANES)]
        for l in range(1, LANES):
            acc = acc + tile_v[l, pl.ds(0, LANES)]
        logit = acc + bias
        prob = 1.0 / (1.0 + jnp.exp(-logit))
        out_v[pl.ds(pl.multiple_of(row0, LANES), LANES)] = prob
        return 0

    lax.fori_loop(0, GROUPS, group_body, 0)

    pltpu.sync_copy(out_v, out_hbm.at[pl.ds(base, B_PER_W)])


@jax.jit
def _gmf_call(users, items, user_table, item_table, w_flat, b_vec):
    mesh = plsc.VectorSubcoreMesh(core_axis_name="c", subcore_axis_name="s")
    kern = functools.partial(
        pl.kernel,
        out_type=jax.ShapeDtypeStruct((BATCH,), jnp.float32),
        mesh=mesh,
        compiler_params=pltpu.CompilerParams(
            needs_layout_passes=False, use_tc_tiling_on_sc=False),
        scratch_types=[
            pltpu.VMEM((B_PER_W,), jnp.int32),
            pltpu.VMEM((B_PER_W,), jnp.int32),
            pltpu.VMEM((B_PER_W, DIM), jnp.float32),
            pltpu.VMEM((B_PER_W, DIM), jnp.float32),
            pltpu.VMEM((DIM,), jnp.float32),
            pltpu.VMEM((LANES,), jnp.float32),
            pltpu.VMEM((LANES, LANES), jnp.float32),
            pltpu.VMEM((B_PER_W,), jnp.float32),
            pltpu.SemaphoreType.DMA,
        ],
    )(_gmf_body)
    return kern(users, items, user_table, item_table, w_flat, b_vec)


def _tr_body(in_ref, out_ref):
    out_ref[...] = in_ref[...].T


def _tc_transpose(tt):
    d, n = tt.shape
    bn = 512
    return pl.pallas_call(
        _tr_body,
        grid=(pl.cdiv(n, bn),),
        in_specs=[pl.BlockSpec((d, bn), lambda i: (0, i))],
        out_specs=pl.BlockSpec((bn, d), lambda i: (i, 0)),
        out_shape=jax.ShapeDtypeStruct((n, d), jnp.float32),
    )(tt)


def kernel(users, items, user_table, item_table, W, b):
    ut_rm = _tc_transpose(user_table.T)
    it_rm = _tc_transpose(item_table.T)
    w_flat = W.reshape(DIM).astype(jnp.float32)
    b_vec = jnp.broadcast_to(b.reshape(()), (LANES,)).astype(jnp.float32)
    out = _gmf_call(users, items, ut_rm, it_rm, w_flat, b_vec)
    return out.reshape(BATCH, 1)

# --- scband reference (transcript-rebuilt; emitter-appended) ---
"""Pipeline reference for scband-gmf-4810363372810 (READ-ONLY COPY).

The authoritative reference and input builder live on the scoring server;
editing this copy changes nothing except your own understanding.
"""

import jax, jax.numpy as jnp
import numpy as np

USER_COUNT = 1000000
ITEM_COUNT = 1000000
GMF_DIM = 32
BATCH = 16384

def setup_inputs(seed: int = 0) -> dict:
    key = jax.random.key(seed)
    k_users, k_items, k_ut, k_it, k_w, k_b = jax.random.split(key, 6)
    users = jax.random.randint(k_users, (BATCH,), 0, USER_COUNT, dtype=jnp.int64 if jax.config.jax_enable_x64 else jnp.int32).astype(jnp.int32)
    items = jax.random.randint(k_items, (BATCH,), 0, ITEM_COUNT, dtype=jnp.int32)
    user_table = jax.random.normal(k_ut, (USER_COUNT, GMF_DIM), dtype=jnp.float32)
    item_table = jax.random.normal(k_it, (ITEM_COUNT, GMF_DIM), dtype=jnp.float32)
    # Linear(gmf_dim, 1): weight [1, gmf_dim], bias [1]
    lim = 1.0 / np.sqrt(GMF_DIM)
    W = jax.random.uniform(k_w, (GMF_DIM, 1), minval=-lim, maxval=lim, dtype=jnp.float32)
    b = jax.random.uniform(k_b, (1,), minval=-lim, maxval=lim, dtype=jnp.float32)
    return {"users": users, "items": items, "user_table": user_table, "item_table": item_table, "W": W, "b": b}

def reference(users, items, user_table, item_table, W, b):
    user_vector = jnp.take(user_table, users, axis=0)          # [B, D] gather
    item_vector = jnp.take(item_table, items, axis=0)          # [B, D] gather
    pointwise_product = user_vector * item_vector               # [B, D]
    logits = pointwise_product @ W + b                          # [B, 1]
    prob = jax.nn.sigmoid(logits)
    return prob

if __name__ == "__main__":
    import jax
    _d = setup_inputs()
    print(jax.jit(kernel)(*tuple(_d.values())))

</pallas_src>

<mosaic_0001>
#map = affine_map<(d0, d1) -> (0)>
#map1 = affine_map<(d0, d1) -> (0, 0)>
module attributes {stable_mosaic.version = 14 : i64} {
  func.func @_gmf_body(%arg0: i32, %arg1: i32, %arg2: memref<16384xi32, #tpu.memory_space<hbm>>, %arg3: memref<16384xi32, #tpu.memory_space<hbm>>, %arg4: memref<1000000x32xf32, #tpu.memory_space<hbm>>, %arg5: memref<1000000x32xf32, #tpu.memory_space<hbm>>, %arg6: memref<32xf32, #tpu.memory_space<hbm>>, %arg7: memref<16xf32, #tpu.memory_space<hbm>>, %arg8: memref<16384xf32, #tpu.memory_space<hbm>>, %arg9: memref<512xi32, #tpu.memory_space<vmem>>, %arg10: memref<512xi32, #tpu.memory_space<vmem>>, %arg11: memref<512x32xf32, #tpu.memory_space<vmem>>, %arg12: memref<512x32xf32, #tpu.memory_space<vmem>>, %arg13: memref<32xf32, #tpu.memory_space<vmem>>, %arg14: memref<16xf32, #tpu.memory_space<vmem>>, %arg15: memref<16x16xf32, #tpu.memory_space<vmem>>, %arg16: memref<512xf32, #tpu.memory_space<vmem>>, %arg17: memref<!tpu.dma_semaphore, #tpu.memory_space<semaphore_mem>>) attributes {dimension_semantics = [#tpu.dimension_semantics<core_parallel>, #tpu.dimension_semantics<subcore_parallel>], iteration_bounds = array<i64: 2, 16>, scalar_prefetch = 0 : i64, scratch_operands = 9 : i64, tpu.core_type = #tpu.core_type<sc_vector_subcore>, window_params = [{transform_indices = #map}, {transform_indices = #map}, {transform_indices = #map1}, {transform_indices = #map1}, {transform_indices = #map}, {transform_indices = #map}, {transform_indices = #map}]} {
    %mul3A = arith.constant 2 : i32
    %mul3A_0 = arith.muli %arg1, %mul3A : i32
    %add3A = arith.addi %mul3A_0, %arg0 : i32
    %mul3A_1 = arith.constant 512 : i32
    %mul3A_2 = arith.muli %add3A, %mul3A_1 : i32
    "tpu.region"() ({
      %run_scoped3A = tpu.sem_alloc : memref<!tpu.dma_semaphore, #tpu.memory_space<semaphore_mem>>
      %dma_start3A_140 = tpu.memref_slice %arg2[%mul3A_2] : memref<16384xi32, #tpu.memory_space<hbm>> -> memref<512xi32, #tpu.memory_space<hbm>>
      %dma_start3A_141 = tpu.memref_slice %arg2[%mul3A_2] : memref<16384xi32, #tpu.memory_space<hbm>> -> memref<512xi32, #tpu.memory_space<hbm>>
      tpu.enqueue_dma source(%dma_start3A_141 : memref<512xi32, #tpu.memory_space<hbm>>) target(%arg9 : memref<512xi32, #tpu.memory_space<vmem>>) target_semaphore(%run_scoped3A : memref<!tpu.dma_semaphore, #tpu.memory_space<semaphore_mem>>)
      %dma_wait3A_142 = tpu.memref_slice %arg2[%mul3A_2] : memref<16384xi32, #tpu.memory_space<hbm>> -> memref<512xi32, #tpu.memory_space<hbm>>
      %dma_wait3A_143 = tpu.memref_slice %arg2[%mul3A_2] : memref<16384xi32, #tpu.memory_space<hbm>> -> memref<512xi32, #tpu.memory_space<hbm>>
      tpu.wait_dma2 semaphore(%run_scoped3A : memref<!tpu.dma_semaphore, #tpu.memory_space<semaphore_mem>>) src(%dma_wait3A_143 : memref<512xi32, #tpu.memory_space<hbm>>) dst(%arg9 : memref<512xi32, #tpu.memory_space<vmem>>)
      tpu.yield
    }) : () -> ()
    "tpu.region"() ({
      %run_scoped3A = tpu.sem_alloc : memref<!tpu.dma_semaphore, #tpu.memory_space<semaphore_mem>>
      %dma_start3A_140 = tpu.memref_slice %arg3[%mul3A_2] : memref<16384xi32, #tpu.memory_space<hbm>> -> memref<512xi32, #tpu.memory_space<hbm>>
      %dma_start3A_141 = tpu.memref_slice %arg3[%mul3A_2] : memref<16384xi32, #tpu.memory_space<hbm>> -> memref<512xi32, #tpu.memory_space<hbm>>
      tpu.enqueue_dma source(%dma_start3A_141 : memref<512xi32, #tpu.memory_space<hbm>>) target(%arg10 : memref<512xi32, #tpu.memory_space<vmem>>) target_semaphore(%run_scoped3A : memref<!tpu.dma_semaphore, #tpu.memory_space<semaphore_mem>>)
      %dma_wait3A_142 = tpu.memref_slice %arg3[%mul3A_2] : memref<16384xi32, #tpu.memory_space<hbm>> -> memref<512xi32, #tpu.memory_space<hbm>>
      %dma_wait3A_143 = tpu.memref_slice %arg3[%mul3A_2] : memref<16384xi32, #tpu.memory_space<hbm>> -> memref<512xi32, #tpu.memory_space<hbm>>
      tpu.wait_dma2 semaphore(%run_scoped3A : memref<!tpu.dma_semaphore, #tpu.memory_space<semaphore_mem>>) src(%dma_wait3A_143 : memref<512xi32, #tpu.memory_space<hbm>>) dst(%arg10 : memref<512xi32, #tpu.memory_space<vmem>>)
      tpu.yield
    }) : () -> ()
    "tpu.region"() ({
      %run_scoped3A = tpu.sem_alloc : memref<!tpu.dma_semaphore, #tpu.memory_space<semaphore_mem>>
      tpu.enqueue_dma source(%arg6 : memref<32xf32, #tpu.memory_space<hbm>>) target(%arg13 : memref<32xf32, #tpu.memory_space<vmem>>) target_semaphore(%run_scoped3A : memref<!tpu.dma_semaphore, #tpu.memory_space<semaphore_mem>>)
      tpu.wait_dma2 semaphore(%run_scoped3A : memref<!tpu.dma_semaphore, #tpu.memory_space<semaphore_mem>>) src(%arg6 : memref<32xf32, #tpu.memory_space<hbm>>) dst(%arg13 : memref<32xf32, #tpu.memory_space<vmem>>)
      tpu.yield
    }) : () -> ()
    "tpu.region"() ({
      %run_scoped3A = tpu.sem_alloc : memref<!tpu.dma_semaphore, #tpu.memory_space<semaphore_mem>>
      tpu.enqueue_dma source(%arg7 : memref<16xf32, #tpu.memory_space<hbm>>) target(%arg14 : memref<16xf32, #tpu.memory_space<vmem>>) target_semaphore(%run_scoped3A : memref<!tpu.dma_semaphore, #tpu.memory_space<semaphore_mem>>)
      tpu.wait_dma2 semaphore(%run_scoped3A : memref<!tpu.dma_semaphore, #tpu.memory_space<semaphore_mem>>) src(%arg7 : memref<16xf32, #tpu.memory_space<hbm>>) dst(%arg14 : memref<16xf32, #tpu.memory_space<vmem>>)
      tpu.yield
    }) : () -> ()
    %dma_start3A = arith.constant 0 : i32
    %dma_start3A_3 = arith.constant 0 : i32
    %dma_start3A_4 = tpu.memref_slice %arg11[%dma_start3A, %dma_start3A_3] : memref<512x32xf32, #tpu.memory_space<vmem>> -> memref<128x32xf32, #tpu.memory_space<vmem>>
    %dma_start3A_5 = arith.constant 0 : i32
    %dma_start3A_6 = tpu.memref_slice %arg9[%dma_start3A_5] : memref<512xi32, #tpu.memory_space<vmem>> -> memref<128xi32, #tpu.memory_space<vmem>>
    %dma_start3A_7 = arith.constant 0 : i32
    %dma_start3A_8 = arith.constant 0 : i32
    %dma_start3A_9 = tpu.memref_slice %arg4[%dma_start3A_7, %dma_start3A_8] : memref<1000000x32xf32, #tpu.memory_space<hbm>> -> memref<1000000x32xf32, #tpu.memory_space<hbm>>
    tpu.enqueue_indirect_dma source(%dma_start3A_9 : memref<1000000x32xf32, #tpu.memory_space<hbm>>) target(%dma_start3A_4 : memref<128x32xf32, #tpu.memory_space<vmem>>) offsets(%dma_start3A_6 : memref<128xi32, #tpu.memory_space<vmem>>) semaphore(%arg17 : memref<!tpu.dma_semaphore, #tpu.memory_space<semaphore_mem>>)
    %dma_start3A_10 = arith.constant 0 : i32
    %dma_start3A_11 = arith.constant 0 : i32
    %dma_start3A_12 = tpu.memref_slice %arg12[%dma_start3A_10, %dma_start3A_11] : memref<512x32xf32, #tpu.memory_space<vmem>> -> memref<128x32xf32, #tpu.memory_space<vmem>>
    %dma_start3A_13 = arith.constant 0 : i32
    %dma_start3A_14 = tpu.memref_slice %arg10[%dma_start3A_13] : memref<512xi32, #tpu.memory_space<vmem>> -> memref<128xi32, #tpu.memory_space<vmem>>
    %dma_start3A_15 = arith.constant 0 : i32
    %dma_start3A_16 = arith.constant 0 : i32
    %dma_start3A_17 = tpu.memref_slice %arg5[%dma_start3A_15, %dma_start3A_16] : memref<1000000x32xf32, #tpu.memory_space<hbm>> -> memref<1000000x32xf32, #tpu.memory_space<hbm>>
    tpu.enqueue_indirect_dma source(%dma_start3A_17 : memref<1000000x32xf32, #tpu.memory_space<hbm>>) target(%dma_start3A_12 : memref<128x32xf32, #tpu.memory_space<vmem>>) offsets(%dma_start3A_14 : memref<128xi32, #tpu.memory_space<vmem>>) semaphore(%arg17 : memref<!tpu.dma_semaphore, #tpu.memory_space<semaphore_mem>>)
    %dma_start3A_18 = arith.constant 128 : i32
    %dma_start3A_19 = arith.constant 0 : i32
    %dma_start3A_20 = tpu.memref_slice %arg11[%dma_start3A_18, %dma_start3A_19] : memref<512x32xf32, #tpu.memory_space<vmem>> -> memref<128x32xf32, #tpu.memory_space<vmem>>
    %dma_start3A_21 = arith.constant 128 : i32
    %dma_start3A_22 = tpu.memref_slice %arg9[%dma_start3A_21] : memref<512xi32, #tpu.memory_space<vmem>> -> memref<128xi32, #tpu.memory_space<vmem>>
    %dma_start3A_23 = arith.constant 0 : i32
    %dma_start3A_24 = arith.constant 0 : i32
    %dma_start3A_25 = tpu.memref_slice %arg4[%dma_start3A_23, %dma_start3A_24] : memref<1000000x32xf32, #tpu.memory_space<hbm>> -> memref<1000000x32xf32, #tpu.memory_space<hbm>>
    tpu.enqueue_indirect_dma source(%dma_start3A_25 : memref<1000000x32xf32, #tpu.memory_space<hbm>>) target(%dma_start3A_20 : memref<128x32xf32, #tpu.memory_space<vmem>>) offsets(%dma_start3A_22 : memref<128xi32, #tpu.memory_space<vmem>>) semaphore(%arg17 : memref<!tpu.dma_semaphore, #tpu.memory_space<semaphore_mem>>)
    %dma_start3A_26 = arith.constant 128 : i32
    %dma_start3A_27 = arith.constant 0 : i32
    %dma_start3A_28 = tpu.memref_slice %arg12[%dma_start3A_26, %dma_start3A_27] : memref<512x32xf32, #tpu.memory_space<vmem>> -> memref<128x32xf32, #tpu.memory_space<vmem>>
    %dma_start3A_29 = arith.constant 128 : i32
    %dma_start3A_30 = tpu.memref_slice %arg10[%dma_start3A_29] : memref<512xi32, #tpu.memory_space<vmem>> -> memref<128xi32, #tpu.memory_space<vmem>>
    %dma_start3A_31 = arith.constant 0 : i32
    %dma_start3A_32 = arith.constant 0 : i32
    %dma_start3A_33 = tpu.memref_slice %arg5[%dma_start3A_31, %dma_start3A_32] : memref<1000000x32xf32, #tpu.memory_space<hbm>> -> memref<1000000x32xf32, #tpu.memory_space<hbm>>
    tpu.enqueue_indirect_dma source(%dma_start3A_33 : memref<1000000x32xf32, #tpu.memory_space<hbm>>) target(%dma_start3A_28 : memref<128x32xf32, #tpu.memory_space<vmem>>) offsets(%dma_start3A_30 : memref<128xi32, #tpu.memory_space<vmem>>) semaphore(%arg17 : memref<!tpu.dma_semaphore, #tpu.memory_space<semaphore_mem>>)
    %dma_start3A_34 = arith.constant 256 : i32
    %dma_start3A_35 = arith.constant 0 : i32
    %dma_start3A_36 = tpu.memref_slice %arg11[%dma_start3A_34, %dma_start3A_35] : memref<512x32xf32, #tpu.memory_space<vmem>> -> memref<128x32xf32, #tpu.memory_space<vmem>>
    %dma_start3A_37 = arith.constant 256 : i32
    %dma_start3A_38 = tpu.memref_slice %arg9[%dma_start3A_37] : memref<512xi32, #tpu.memory_space<vmem>> -> memref<128xi32, #tpu.memory_space<vmem>>
    %dma_start3A_39 = arith.constant 0 : i32
    %dma_start3A_40 = arith.constant 0 : i32
    %dma_start3A_41 = tpu.memref_slice %arg4[%dma_start3A_39, %dma_start3A_40] : memref<1000000x32xf32, #tpu.memory_space<hbm>> -> memref<1000000x32xf32, #tpu.memory_space<hbm>>
    tpu.enqueue_indirect_dma source(%dma_start3A_41 : memref<1000000x32xf32, #tpu.memory_space<hbm>>) target(%dma_start3A_36 : memref<128x32xf32, #tpu.memory_space<vmem>>) offsets(%dma_start3A_38 : memref<128xi32, #tpu.memory_space<vmem>>) semaphore(%arg17 : memref<!tpu.dma_semaphore, #tpu.memory_space<semaphore_mem>>)
    %dma_start3A_42 = arith.constant 256 : i32
    %dma_start3A_43 = arith.constant 0 : i32
    %dma_start3A_44 = tpu.memref_slice %arg12[%dma_start3A_42, %dma_start3A_43] : memref<512x32xf32, #tpu.memory_space<vmem>> -> memref<128x32xf32, #tpu.memory_space<vmem>>
    %dma_start3A_45 = arith.constant 256 : i32
    %dma_start3A_46 = tpu.memref_slice %arg10[%dma_start3A_45] : memref<512xi32, #tpu.memory_space<vmem>> -> memref<128xi32, #tpu.memory_space<vmem>>
    %dma_start3A_47 = arith.constant 0 : i32
    %dma_start3A_48 = arith.constant 0 : i32
    %dma_start3A_49 = tpu.memref_slice %arg5[%dma_start3A_47, %dma_start3A_48] : memref<1000000x32xf32, #tpu.memory_space<hbm>> -> memref<1000000x32xf32, #tpu.memory_space<hbm>>
    tpu.enqueue_indirect_dma source(%dma_start3A_49 : memref<1000000x32xf32, #tpu.memory_space<hbm>>) target(%dma_start3A_44 : memref<128x32xf32, #tpu.memory_space<vmem>>) offsets(%dma_start3A_46 : memref<128xi32, #tpu.memory_space<vmem>>) semaphore(%arg17 : memref<!tpu.dma_semaphore, #tpu.memory_space<semaphore_mem>>)
    %dma_start3A_50 = arith.constant 384 : i32
    %dma_start3A_51 = arith.constant 0 : i32
    %dma_start3A_52 = tpu.memref_slice %arg11[%dma_start3A_50, %dma_start3A_51] : memref<512x32xf32, #tpu.memory_space<vmem>> -> memref<128x32xf32, #tpu.memory_space<vmem>>
    %dma_start3A_53 = arith.constant 384 : i32
    %dma_start3A_54 = tpu.memref_slice %arg9[%dma_start3A_53] : memref<512xi32, #tpu.memory_space<vmem>> -> memref<128xi32, #tpu.memory_space<vmem>>
    %dma_start3A_55 = arith.constant 0 : i32
    %dma_start3A_56 = arith.constant 0 : i32
    %dma_start3A_57 = tpu.memref_slice %arg4[%dma_start3A_55, %dma_start3A_56] : memref<1000000x32xf32, #tpu.memory_space<hbm>> -> memref<1000000x32xf32, #tpu.memory_space<hbm>>
    tpu.enqueue_indirect_dma source(%dma_start3A_57 : memref<1000000x32xf32, #tpu.memory_space<hbm>>) target(%dma_start3A_52 : memref<128x32xf32, #tpu.memory_space<vmem>>) offsets(%dma_start3A_54 : memref<128xi32, #tpu.memory_space<vmem>>) semaphore(%arg17 : memref<!tpu.dma_semaphore, #tpu.memory_space<semaphore_mem>>)
    %dma_start3A_58 = arith.constant 384 : i32
    %dma_start3A_59 = arith.constant 0 : i32
    %dma_start3A_60 = tpu.memref_slice %arg12[%dma_start3A_58, %dma_start3A_59] : memref<512x32xf32, #tpu.memory_space<vmem>> -> memref<128x32xf32, #tpu.memory_space<vmem>>
    %dma_start3A_61 = arith.constant 384 : i32
    %dma_start3A_62 = tpu.memref_slice %arg10[%dma_start3A_61] : memref<512xi32, #tpu.memory_space<vmem>> -> memref<128xi32, #tpu.memory_space<vmem>>
    %dma_start3A_63 = arith.constant 0 : i32
    %dma_start3A_64 = arith.constant 0 : i32
    %dma_start3A_65 = tpu.memref_slice %arg5[%dma_start3A_63, %dma_start3A_64] : memref<1000000x32xf32, #tpu.memory_space<hbm>> -> memref<1000000x32xf32, #tpu.memory_space<hbm>>
    tpu.enqueue_indirect_dma source(%dma_start3A_65 : memref<1000000x32xf32, #tpu.memory_space<hbm>>) target(%dma_start3A_60 : memref<128x32xf32, #tpu.memory_space<vmem>>) offsets(%dma_start3A_62 : memref<128xi32, #tpu.memory_space<vmem>>) semaphore(%arg17 : memref<!tpu.dma_semaphore, #tpu.memory_space<semaphore_mem>>)
    %dma_wait3A = arith.constant 0 : i32
    %dma_wait3A_66 = arith.constant 0 : i32
    %dma_wait3A_67 = tpu.memref_slice %arg11[%dma_wait3A, %dma_wait3A_66] : memref<512x32xf32, #tpu.memory_space<vmem>> -> memref<128x32xf32, #tpu.memory_space<vmem>>
    %dma_wait3A_68 = arith.constant 0 : i32
    %dma_wait3A_69 = tpu.memref_slice %arg9[%dma_wait3A_68] : memref<512xi32, #tpu.memory_space<vmem>> -> memref<128xi32, #tpu.memory_space<vmem>>
    %dma_wait3A_70 = arith.constant 0 : i32
    %dma_wait3A_71 = arith.constant 0 : i32
    %dma_wait3A_72 = tpu.memref_slice %arg4[%dma_wait3A_70, %dma_wait3A_71] : memref<1000000x32xf32, #tpu.memory_space<hbm>> -> memref<1000000x32xf32, #tpu.memory_space<hbm>>
    tpu.wait_indirect_dma semaphore(%arg17 : memref<!tpu.dma_semaphore, #tpu.memory_space<semaphore_mem>>) src(%dma_wait3A_72 : memref<1000000x32xf32, #tpu.memory_space<hbm>>) dst(%dma_wait3A_67 : memref<128x32xf32, #tpu.memory_space<vmem>>)
    %dma_wait3A_73 = arith.constant 0 : i32
    %dma_wait3A_74 = arith.constant 0 : i32
    %dma_wait3A_75 = tpu.memref_slice %arg12[%dma_wait3A_73, %dma_wait3A_74] : memref<512x32xf32, #tpu.memory_space<vmem>> -> memref<128x32xf32, #tpu.memory_space<vmem>>
    %dma_wait3A_76 = arith.constant 0 : i32
    %dma_wait3A_77 = tpu.memref_slice %arg10[%dma_wait3A_76] : memref<512xi32, #tpu.memory_space<vmem>> -> memref<128xi32, #tpu.memory_space<vmem>>
    %dma_wait3A_78 = arith.constant 0 : i32
    %dma_wait3A_79 = arith.constant 0 : i32
    %dma_wait3A_80 = tpu.memref_slice %arg5[%dma_wait3A_78, %dma_wait3A_79] : memref<1000000x32xf32, #tpu.memory_space<hbm>> -> memref<1000000x32xf32, #tpu.memory_space<hbm>>
    tpu.wait_indirect_dma semaphore(%arg17 : memref<!tpu.dma_semaphore, #tpu.memory_space<semaphore_mem>>) src(%dma_wait3A_80 : memref<1000000x32xf32, #tpu.memory_space<hbm>>) dst(%dma_wait3A_75 : memref<128x32xf32, #tpu.memory_space<vmem>>)
    %dma_wait3A_81 = arith.constant 128 : i32
    %dma_wait3A_82 = arith.constant 0 : i32
    %dma_wait3A_83 = tpu.memref_slice %arg11[%dma_wait3A_81, %dma_wait3A_82] : memref<512x32xf32, #tpu.memory_space<vmem>> -> memref<128x32xf32, #tpu.memory_space<vmem>>
    %dma_wait3A_84 = arith.constant 128 : i32
    %dma_wait3A_85 = tpu.memref_slice %arg9[%dma_wait3A_84] : memref<512xi32, #tpu.memory_space<vmem>> -> memref<128xi32, #tpu.memory_space<vmem>>
    %dma_wait3A_86 = arith.constant 0 : i32
    %dma_wait3A_87 = arith.constant 0 : i32
    %dma_wait3A_88 = tpu.memref_slice %arg4[%dma_wait3A_86, %dma_wait3A_87] : memref<1000000x32xf32, #tpu.memory_space<hbm>> -> memref<1000000x32xf32, #tpu.memory_space<hbm>>
    tpu.wait_indirect_dma semaphore(%arg17 : memref<!tpu.dma_semaphore, #tpu.memory_space<semaphore_mem>>) src(%dma_wait3A_88 : memref<1000000x32xf32, #tpu.memory_space<hbm>>) dst(%dma_wait3A_83 : memref<128x32xf32, #tpu.memory_space<vmem>>)
    %dma_wait3A_89 = arith.constant 128 : i32
    %dma_wait3A_90 = arith.constant 0 : i32
    %dma_wait3A_91 = tpu.memref_slice %arg12[%dma_wait3A_89, %dma_wait3A_90] : memref<512x32xf32, #tpu.memory_space<vmem>> -> memref<128x32xf32, #tpu.memory_space<vmem>>
    %dma_wait3A_92 = arith.constant 128 : i32
    %dma_wait3A_93 = tpu.memref_slice %arg10[%dma_wait3A_92] : memref<512xi32, #tpu.memory_space<vmem>> -> memref<128xi32, #tpu.memory_space<vmem>>
    %dma_wait3A_94 = arith.constant 0 : i32
    %dma_wait3A_95 = arith.constant 0 : i32
    %dma_wait3A_96 = tpu.memref_slice %arg5[%dma_wait3A_94, %dma_wait3A_95] : memref<1000000x32xf32, #tpu.memory_space<hbm>> -> memref<1000000x32xf32, #tpu.memory_space<hbm>>
    tpu.wait_indirect_dma semaphore(%arg17 : memref<!tpu.dma_semaphore, #tpu.memory_space<semaphore_mem>>) src(%dma_wait3A_96 : memref<1000000x32xf32, #tpu.memory_space<hbm>>) dst(%dma_wait3A_91 : memref<128x32xf32, #tpu.memory_space<vmem>>)
    %dma_wait3A_97 = arith.constant 256 : i32
    %dma_wait3A_98 = arith.constant 0 : i32
    %dma_wait3A_99 = tpu.memref_slice %arg11[%dma_wait3A_97, %dma_wait3A_98] : memref<512x32xf32, #tpu.memory_space<vmem>> -> memref<128x32xf32, #tpu.memory_space<vmem>>
    %dma_wait3A_100 = arith.constant 256 : i32
    %dma_wait3A_101 = tpu.memref_slice %arg9[%dma_wait3A_100] : memref<512xi32, #tpu.memory_space<vmem>> -> memref<128xi32, #tpu.memory_space<vmem>>
    %dma_wait3A_102 = arith.constant 0 : i32
    %dma_wait3A_103 = arith.constant 0 : i32
    %dma_wait3A_104 = tpu.memref_slice %arg4[%dma_wait3A_102, %dma_wait3A_103] : memref<1000000x32xf32, #tpu.memory_space<hbm>> -> memref<1000000x32xf32, #tpu.memory_space<hbm>>
    tpu.wait_indirect_dma semaphore(%arg17 : memref<!tpu.dma_semaphore, #tpu.memory_space<semaphore_mem>>) src(%dma_wait3A_104 : memref<1000000x32xf32, #tpu.memory_space<hbm>>) dst(%dma_wait3A_99 : memref<128x32xf32, #tpu.memory_space<vmem>>)
    %dma_wait3A_105 = arith.constant 256 : i32
    %dma_wait3A_106 = arith.constant 0 : i32
    %dma_wait3A_107 = tpu.memref_slice %arg12[%dma_wait3A_105, %dma_wait3A_106] : memref<512x32xf32, #tpu.memory_space<vmem>> -> memref<128x32xf32, #tpu.memory_space<vmem>>
    %dma_wait3A_108 = arith.constant 256 : i32
    %dma_wait3A_109 = tpu.memref_slice %arg10[%dma_wait3A_108] : memref<512xi32, #tpu.memory_space<vmem>> -> memref<128xi32, #tpu.memory_space<vmem>>
    %dma_wait3A_110 = arith.constant 0 : i32
    %dma_wait3A_111 = arith.constant 0 : i32
    %dma_wait3A_112 = tpu.memref_slice %arg5[%dma_wait3A_110, %dma_wait3A_111] : memref<1000000x32xf32, #tpu.memory_space<hbm>> -> memref<1000000x32xf32, #tpu.memory_space<hbm>>
    tpu.wait_indirect_dma semaphore(%arg17 : memref<!tpu.dma_semaphore, #tpu.memory_space<semaphore_mem>>) src(%dma_wait3A_112 : memref<1000000x32xf32, #tpu.memory_space<hbm>>) dst(%dma_wait3A_107 : memref<128x32xf32, #tpu.memory_space<vmem>>)
    %dma_wait3A_113 = arith.constant 384 : i32
    %dma_wait3A_114 = arith.constant 0 : i32
    %dma_wait3A_115 = tpu.memref_slice %arg11[%dma_wait3A_113, %dma_wait3A_114] : memref<512x32xf32, #tpu.memory_space<vmem>> -> memref<128x32xf32, #tpu.memory_space<vmem>>
    %dma_wait3A_116 = arith.constant 384 : i32
    %dma_wait3A_117 = tpu.memref_slice %arg9[%dma_wait3A_116] : memref<512xi32, #tpu.memory_space<vmem>> -> memref<128xi32, #tpu.memory_space<vmem>>
    %dma_wait3A_118 = arith.constant 0 : i32
    %dma_wait3A_119 = arith.constant 0 : i32
    %dma_wait3A_120 = tpu.memref_slice %arg4[%dma_wait3A_118, %dma_wait3A_119] : memref<1000000x32xf32, #tpu.memory_space<hbm>> -> memref<1000000x32xf32, #tpu.memory_space<hbm>>
    tpu.wait_indirect_dma semaphore(%arg17 : memref<!tpu.dma_semaphore, #tpu.memory_space<semaphore_mem>>) src(%dma_wait3A_120 : memref<1000000x32xf32, #tpu.memory_space<hbm>>) dst(%dma_wait3A_115 : memref<128x32xf32, #tpu.memory_space<vmem>>)
    %dma_wait3A_121 = arith.constant 384 : i32
    %dma_wait3A_122 = arith.constant 0 : i32
    %dma_wait3A_123 = tpu.memref_slice %arg12[%dma_wait3A_121, %dma_wait3A_122] : memref<512x32xf32, #tpu.memory_space<vmem>> -> memref<128x32xf32, #tpu.memory_space<vmem>>
    %dma_wait3A_124 = arith.constant 384 : i32
    %dma_wait3A_125 = tpu.memref_slice %arg10[%dma_wait3A_124] : memref<512xi32, #tpu.memory_space<vmem>> -> memref<128xi32, #tpu.memory_space<vmem>>
    %dma_wait3A_126 = arith.constant 0 : i32
    %dma_wait3A_127 = arith.constant 0 : i32
    %dma_wait3A_128 = tpu.memref_slice %arg5[%dma_wait3A_126, %dma_wait3A_127] : memref<1000000x32xf32, #tpu.memory_space<hbm>> -> memref<1000000x32xf32, #tpu.memory_space<hbm>>
    tpu.wait_indirect_dma semaphore(%arg17 : memref<!tpu.dma_semaphore, #tpu.memory_space<semaphore_mem>>) src(%dma_wait3A_128 : memref<1000000x32xf32, #tpu.memory_space<hbm>>) dst(%dma_wait3A_123 : memref<128x32xf32, #tpu.memory_space<vmem>>)
    %get3A = arith.constant 0 : index
    %get3A_129 = tpu.vector_load %arg13[%get3A] {strides = array<i32>} : memref<32xf32, #tpu.memory_space<vmem>>, vector<16xf32>,
    %get3A_130 = arith.constant 16 : index
    %get3A_131 = tpu.vector_load %arg13[%get3A_130] {strides = array<i32>} : memref<32xf32, #tpu.memory_space<vmem>>, vector<16xf32>,
    %get3A_132 = arith.constant 0 : index
    %get3A_133 = tpu.vector_load %arg14[%get3A_132] {strides = array<i32>} : memref<16xf32, #tpu.memory_space<vmem>>, vector<16xf32>,
    %iota3A = tpu.iota {dimensions = array<i32: 0>} : vector<16xi32>
    %scan3A = arith.constant 0 : i32
    %scan3A_134 = arith.constant 0 : i32
    %scan3A_135 = arith.constant 32 : i32
    %scan3A_136 = arith.addi %scan3A_134, %scan3A_135 : i32
    %scan3A_137 = arith.constant 1 : i32
    %scan3A_138 = scf.for %scan3A_140 = %scan3A_134 to %scan3A_136 step %scan3A_137 iter_args(%scan3A_141 = %scan3A) -> (i32)  : i32 {
      %mul3A_142 = arith.constant 16 : i32
      %mul3A_143 = arith.muli %scan3A_140, %mul3A_142 : i32
      %add3A_144 = arith.constant 0 : i32
      %add3A_145 = arith.addi %mul3A_143, %add3A_144 : i32
      %get3A_146 = arith.index_cast %add3A_145 : i32 to index
      %get3A_147 = arith.constant 0 : index
      %get3A_148 = tpu.vector_load %arg11[%get3A_146, %get3A_147] {strides = array<i32>} : memref<512x32xf32, #tpu.memory_space<vmem>>, vector<16xf32>,
      %get3A_149 = arith.index_cast %add3A_145 : i32 to index
      %get3A_150 = arith.constant 16 : index
      %get3A_151 = tpu.vector_load %arg11[%get3A_149, %get3A_150] {strides = array<i32>} : memref<512x32xf32, #tpu.memory_space<vmem>>, vector<16xf32>,
      %get3A_152 = arith.index_cast %add3A_145 : i32 to index
      %get3A_153 = arith.constant 0 : index
      %get3A_154 = tpu.vector_load %arg12[%get3A_152, %get3A_153] {strides = array<i32>} : memref<512x32xf32, #tpu.memory_space<vmem>>, vector<16xf32>,
      %get3A_155 = arith.index_cast %add3A_145 : i32 to index
      %get3A_156 = arith.constant 16 : index
      %get3A_157 = tpu.vector_load %arg12[%get3A_155, %get3A_156] {strides = array<i32>} : memref<512x32xf32, #tpu.memory_space<vmem>>, vector<16xf32>,
      %mul3A_158 = arith.mulf %get3A_148, %get3A_154 : vector<16xf32>
      %mul3A_159 = arith.mulf %mul3A_158, %get3A_129 : vector<16xf32>
      %mul3A_160 = arith.mulf %get3A_151, %get3A_157 : vector<16xf32>
      %mul3A_161 = arith.mulf %mul3A_160, %get3A_131 : vector<16xf32>
      %add3A_162 = arith.addf %mul3A_159, %mul3A_161 : vector<16xf32>
      %broadcast_in_dim3A = arith.constant 0 : i32
      %broadcast_in_dim3A_163 = vector.broadcast %broadcast_in_dim3A : i32 to vector<16xi32>
      tpu.vector_store_idx %arg15[%iota3A, %broadcast_in_dim3A_163], %add3A_162 : memref<16x16xf32, #tpu.memory_space<vmem>>[vector<16xi32>, vector<16xi32>], vector<16xf32>,
      %add3A_164 = arith.constant 1 : i32
      %add3A_165 = arith.addi %mul3A_143, %add3A_164 : i32
      %get3A_166 = arith.index_cast %add3A_165 : i32 to index
      %get3A_167 = arith.constant 0 : index
      %get3A_168 = tpu.vector_load %arg11[%get3A_166, %get3A_167] {strides = array<i32>} : memref<512x32xf32, #tpu.memory_space<vmem>>, vector<16xf32>,
      %get3A_169 = arith.index_cast %add3A_165 : i32 to index
      %get3A_170 = arith.constant 16 : index
      %get3A_171 = tpu.vector_load %arg11[%get3A_169, %get3A_170] {strides = array<i32>} : memref<512x32xf32, #tpu.memory_space<vmem>>, vector<16xf32>,
      %get3A_172 = arith.index_cast %add3A_165 : i32 to index
      %get3A_173 = arith.constant 0 : index
      %get3A_174 = tpu.vector_load %arg12[%get3A_172, %get3A_173] {strides = array<i32>} : memref<512x32xf32, #tpu.memory_space<vmem>>, vector<16xf32>,
      %get3A_175 = arith.index_cast %add3A_165 : i32 to index
      %get3A_176 = arith.constant 16 : index
      %get3A_177 = tpu.vector_load %arg12[%get3A_175, %get3A_176] {strides = array<i32>} : memref<512x32xf32, #tpu.memory_space<vmem>>, vector<16xf32>,
      %mul3A_178 = arith.mulf %get3A_168, %get3A_174 : vector<16xf32>
      %mul3A_179 = arith.mulf %mul3A_178, %get3A_129 : vector<16xf32>
      %mul3A_180 = arith.mulf %get3A_171, %get3A_177 : vector<16xf32>
      %mul3A_181 = arith.mulf %mul3A_180, %get3A_131 : vector<16xf32>
      %add3A_182 = arith.addf %mul3A_179, %mul3A_181 : vector<16xf32>
      %broadcast_in_dim3A_183 = arith.constant 1 : i32
      %broadcast_in_dim3A_184 = vector.broadcast %broadcast_in_dim3A_183 : i32 to vector<16xi32>
      tpu.vector_store_idx %arg15[%iota3A, %broadcast_in_dim3A_184], %add3A_182 : memref<16x16xf32, #tpu.memory_space<vmem>>[vector<16xi32>, vector<16xi32>], vector<16xf32>,
      %add3A_185 = arith.constant 2 : i32
      %add3A_186 = arith.addi %mul3A_143, %add3A_185 : i32
      %get3A_187 = arith.index_cast %add3A_186 : i32 to index
      %get3A_188 = arith.constant 0 : index
      %get3A_189 = tpu.vector_load %arg11[%get3A_187, %get3A_188] {strides = array<i32>} : memref<512x32xf32, #tpu.memory_space<vmem>>, vector<16xf32>,
      %get3A_190 = arith.index_cast %add3A_186 : i32 to index
      %get3A_191 = arith.constant 16 : index
      %get3A_192 = tpu.vector_load %arg11[%get3A_190, %get3A_191] {strides = array<i32>} : memref<512x32xf32, #tpu.memory_space<vmem>>, vector<16xf32>,
      %get3A_193 = arith.index_cast %add3A_186 : i32 to index
      %get3A_194 = arith.constant 0 : index
      %get3A_195 = tpu.vector_load %arg12[%get3A_193, %get3A_194] {strides = array<i32>} : memref<512x32xf32, #tpu.memory_space<vmem>>, vector<16xf32>,
      %get3A_196 = arith.index_cast %add3A_186 : i32 to index
      %get3A_197 = arith.constant 16 : index
      %get3A_198 = tpu.vector_load %arg12[%get3A_196, %get3A_197] {strides = array<i32>} : memref<512x32xf32, #tpu.memory_space<vmem>>, vector<16xf32>,
      %mul3A_199 = arith.mulf %get3A_189, %get3A_195 : vector<16xf32>
      %mul3A_200 = arith.mulf %mul3A_199, %get3A_129 : vector<16xf32>
      %mul3A_201 = arith.mulf %get3A_192, %get3A_198 : vector<16xf32>
      %mul3A_202 = arith.mulf %mul3A_201, %get3A_131 : vector<16xf32>
      %add3A_203 = arith.addf %mul3A_200, %mul3A_202 : vector<16xf32>
      %broadcast_in_dim3A_204 = arith.constant 2 : i32
      %broadcast_in_dim3A_205 = vector.broadcast %broadcast_in_dim3A_204 : i32 to vector<16xi32>
      tpu.vector_store_idx %arg15[%iota3A, %broadcast_in_dim3A_205], %add3A_203 : memref<16x16xf32, #tpu.memory_space<vmem>>[vector<16xi32>, vector<16xi32>], vector<16xf32>,
      %add3A_206 = arith.constant 3 : i32
      %add3A_207 = arith.addi %mul3A_143, %add3A_206 : i32
      %get3A_208 = arith.index_cast %add3A_207 : i32 to index
      %get3A_209 = arith.constant 0 : index
      %get3A_210 = tpu.vector_load %arg11[%get3A_208, %get3A_209] {strides = array<i32>} : memref<512x32xf32, #tpu.memory_space<vmem>>, vector<16xf32>,
      %get3A_211 = arith.index_cast %add3A_207 : i32 to index
      %get3A_212 = arith.constant 16 : index
      %get3A_213 = tpu.vector_load %arg11[%get3A_211, %get3A_212] {strides = array<i32>} : memref<512x32xf32, #tpu.memory_space<vmem>>, vector<16xf32>,
      %get3A_214 = arith.index_cast %add3A_207 : i32 to index
      %get3A_215 = arith.constant 0 : index
      %get3A_216 = tpu.vector_load %arg12[%get3A_214, %get3A_215] {strides = array<i32>} : memref<512x32xf32, #tpu.memory_space<vmem>>, vector<16xf32>,
      %get3A_217 = arith.index_cast %add3A_207 : i32 to index
      %get3A_218 = arith.constant 16 : index
      %get3A_219 = tpu.vector_load %arg12[%get3A_217, %get3A_218] {strides = array<i32>} : memref<512x32xf32, #tpu.memory_space<vmem>>, vector<16xf32>,
      %mul3A_220 = arith.mulf %get3A_210, %get3A_216 : vector<16xf32>
      %mul3A_221 = arith.mulf %mul3A_220, %get3A_129 : vector<16xf32>
      %mul3A_222 = arith.mulf %get3A_213, %get3A_219 : vector<16xf32>
      %mul3A_223 = arith.mulf %mul3A_222, %get3A_131 : vector<16xf32>
      %add3A_224 = arith.addf %mul3A_221, %mul3A_223 : vector<16xf32>
      %broadcast_in_dim3A_225 = arith.constant 3 : i32
      %broadcast_in_dim3A_226 = vector.broadcast %broadcast_in_dim3A_225 : i32 to vector<16xi32>
      tpu.vector_store_idx %arg15[%iota3A, %broadcast_in_dim3A_226], %add3A_224 : memref<16x16xf32, #tpu.memory_space<vmem>>[vector<16xi32>, vector<16xi32>], vector<16xf32>,
      %add3A_227 = arith.constant 4 : i32
      %add3A_228 = arith.addi %mul3A_143, %add3A_227 : i32
      %get3A_229 = arith.index_cast %add3A_228 : i32 to index
      %get3A_230 = arith.constant 0 : index
      %get3A_231 = tpu.vector_load %arg11[%get3A_229, %get3A_230] {strides = array<i32>} : memref<512x32xf32, #tpu.memory_space<vmem>>, vector<16xf32>,
      %get3A_232 = arith.index_cast %add3A_228 : i32 to index
      %get3A_233 = arith.constant 16 : index
      %get3A_234 = tpu.vector_load %arg11[%get3A_232, %get3A_233] {strides = array<i32>} : memref<512x32xf32, #tpu.memory_space<vmem>>, vector<16xf32>,
      %get3A_235 = arith.index_cast %add3A_228 : i32 to index
      %get3A_236 = arith.constant 0 : index
      %get3A_237 = tpu.vector_load %arg12[%get3A_235, %get3A_236] {strides = array<i32>} : memref<512x32xf32, #tpu.memory_space<vmem>>, vector<16xf32>,
      %get3A_238 = arith.index_cast %add3A_228 : i32 to index
      %get3A_239 = arith.constant 16 : index
      %get3A_240 = tpu.vector_load %arg12[%get3A_238, %get3A_239] {strides = array<i32>} : memref<512x32xf32, #tpu.memory_space<vmem>>, vector<16xf32>,
      %mul3A_241 = arith.mulf %get3A_231, %get3A_237 : vector<16xf32>
      %mul3A_242 = arith.mulf %mul3A_241, %get3A_129 : vector<16xf32>
      %mul3A_243 = arith.mulf %get3A_234, %get3A_240 : vector<16xf32>
      %mul3A_244 = arith.mulf %mul3A_243, %get3A_131 : vector<16xf32>
      %add3A_245 = arith.addf %mul3A_242, %mul3A_244 : vector<16xf32>
      %broadcast_in_dim3A_246 = arith.constant 4 : i32
      %broadcast_in_dim3A_247 = vector.broadcast %broadcast_in_dim3A_246 : i32 to vector<16xi32>
      tpu.vector_store_idx %arg15[%iota3A, %broadcast_in_dim3A_247], %add3A_245 : memref<16x16xf32, #tpu.memory_space<vmem>>[vector<16xi32>, vector<16xi32>], vector<16xf32>,
      %add3A_248 = arith.constant 5 : i32
      %add3A_249 = arith.addi %mul3A_143, %add3A_248 : i32
      %get3A_250 = arith.index_cast %add3A_249 : i32 to index
      %get3A_251 = arith.constant 0 : index
      %get3A_252 = tpu.vector_load %arg11[%get3A_250, %get3A_251] {strides = array<i32>} : memref<512x32xf32, #tpu.memory_space<vmem>>, vector<16xf32>,
      %get3A_253 = arith.index_cast %add3A_249 : i32 to index
      %get3A_254 = arith.constant 16 : index
      %get3A_255 = tpu.vector_load %arg11[%get3A_253, %get3A_254] {strides = array<i32>} : memref<512x32xf32, #tpu.memory_space<vmem>>, vector<16xf32>,
      %get3A_256 = arith.index_cast %add3A_249 : i32 to index
      %get3A_257 = arith.constant 0 : index
      %get3A_258 = tpu.vector_load %arg12[%get3A_256, %get3A_257] {strides = array<i32>} : memref<512x32xf32, #tpu.memory_space<vmem>>, vector<16xf32>,
      %get3A_259 = arith.index_cast %add3A_249 : i32 to index
      %get3A_260 = arith.constant 16 : index
      %get3A_261 = tpu.vector_load %arg12[%get3A_259, %get3A_260] {strides = array<i32>} : memref<512x32xf32, #tpu.memory_space<vmem>>, vector<16xf32>,
      %mul3A_262 = arith.mulf %get3A_252, %get3A_258 : vector<16xf32>
      %mul3A_263 = arith.mulf %mul3A_262, %get3A_129 : vector<16xf32>
      %mul3A_264 = arith.mulf %get3A_255, %get3A_261 : vector<16xf32>
      %mul3A_265 = arith.mulf %mul3A_264, %get3A_131 : vector<16xf32>
      %add3A_266 = arith.addf %mul3A_263, %mul3A_265 : vector<16xf32>
      %broadcast_in_dim3A_267 = arith.constant 5 : i32
      %broadcast_in_dim3A_268 = vector.broadcast %broadcast_in_dim3A_267 : i32 to vector<16xi32>
      tpu.vector_store_idx %arg15[%iota3A, %broadcast_in_dim3A_268], %add3A_266 : memref<16x16xf32, #tpu.memory_space<vmem>>[vector<16xi32>, vector<16xi32>], vector<16xf32>,
      %add3A_269 = arith.constant 6 : i32
      %add3A_270 = arith.addi %mul3A_143, %add3A_269 : i32
      %get3A_271 = arith.index_cast %add3A_270 : i32 to index
      %get3A_272 = arith.constant 0 : index
      %get3A_273 = tpu.vector_load %arg11[%get3A_271, %get3A_272] {strides = array<i32>} : memref<512x32xf32, #tpu.memory_space<vmem>>, vector<16xf32>,
      %get3A_274 = arith.index_cast %add3A_270 : i32 to index
      %get3A_275 = arith.constant 16 : index
      %get3A_276 = tpu.vector_load %arg11[%get3A_274, %get3A_275] {strides = array<i32>} : memref<512x32xf32, #tpu.memory_space<vmem>>, vector<16xf32>,
      %get3A_277 = arith.index_cast %add3A_270 : i32 to index
      %get3A_278 = arith.constant 0 : index
      %get3A_279 = tpu.vector_load %arg12[%get3A_277, %get3A_278] {strides = array<i32>} : memref<512x32xf32, #tpu.memory_space<vmem>>, vector<16xf32>,
      %get3A_280 = arith.index_cast %add3A_270 : i32 to index
      %get3A_281 = arith.constant 16 : index
      %get3A_282 = tpu.vector_load %arg12[%get3A_280, %get3A_281] {strides = array<i32>} : memref<512x32xf32, #tpu.memory_space<vmem>>, vector<16xf32>,
      %mul3A_283 = arith.mulf %get3A_273, %get3A_279 : vector<16xf32>
      %mul3A_284 = arith.mulf %mul3A_283, %get3A_129 : vector<16xf32>
      %mul3A_285 = arith.mulf %get3A_276, %get3A_282 : vector<16xf32>
      %mul3A_286 = arith.mulf %mul3A_285, %get3A_131 : vector<16xf32>
      %add3A_287 = arith.addf %mul3A_284, %mul3A_286 : vector<16xf32>
      %broadcast_in_dim3A_288 = arith.constant 6 : i32
      %broadcast_in_dim3A_289 = vector.broadcast %broadcast_in_dim3A_288 : i32 to vector<16xi32>
      tpu.vector_store_idx %arg15[%iota3A, %broadcast_in_dim3A_289], %add3A_287 : memref<16x16xf32, #tpu.memory_space<vmem>>[vector<16xi32>, vector<16xi32>], vector<16xf32>,
      %add3A_290 = arith.constant 7 : i32
      %add3A_291 = arith.addi %mul3A_143, %add3A_290 : i32
      %get3A_292 = arith.index_cast %add3A_291 : i32 to index
      %get3A_293 = arith.constant 0 : index
      %get3A_294 = tpu.vector_load %arg11[%get3A_292, %get3A_293] {strides = array<i32>} : memref<512x32xf32, #tpu.memory_space<vmem>>, vector<16xf32>,
      %get3A_295 = arith.index_cast %add3A_291 : i32 to index
      %get3A_296 = arith.constant 16 : index
      %get3A_297 = tpu.vector_load %arg11[%get3A_295, %get3A_296] {strides = array<i32>} : memref<512x32xf32, #tpu.memory_space<vmem>>, vector<16xf32>,
      %get3A_298 = arith.index_cast %add3A_291 : i32 to index
      %get3A_299 = arith.constant 0 : index
      %get3A_300 = tpu.vector_load %arg12[%get3A_298, %get3A_299] {strides = array<i32>} : memref<512x32xf32, #tpu.memory_space<vmem>>, vector<16xf32>,
      %get3A_301 = arith.index_cast %add3A_291 : i32 to index
      %get3A_302 = arith.constant 16 : index
      %get3A_303 = tpu.vector_load %arg12[%get3A_301, %get3A_302] {strides = array<i32>} : memref<512x32xf32, #tpu.memory_space<vmem>>, vector<16xf32>,
      %mul3A_304 = arith.mulf %get3A_294, %get3A_300 : vector<16xf32>
      %mul3A_305 = arith.mulf %mul3A_304, %get3A_129 : vector<16xf32>
      %mul3A_306 = arith.mulf %get3A_297, %get3A_303 : vector<16xf32>
      %mul3A_307 = arith.mulf %mul3A_306, %get3A_131 : vector<16xf32>
      %add3A_308 = arith.addf %mul3A_305, %mul3A_307 : vector<16xf32>
      %broadcast_in_dim3A_309 = arith.constant 7 : i32
      %broadcast_in_dim3A_310 = vector.broadcast %broadcast_in_dim3A_309 : i32 to vector<16xi32>
      tpu.vector_store_idx %arg15[%iota3A, %broadcast_in_dim3A_310], %add3A_308 : memref<16x16xf32, #tpu.memory_space<vmem>>[vector<16xi32>, vector<16xi32>], vector<16xf32>,
      %add3A_311 = arith.constant 8 : i32
      %add3A_312 = arith.addi %mul3A_143, %add3A_311 : i32
      %get3A_313 = arith.index_cast %add3A_312 : i32 to index
      %get3A_314 = arith.constant 0 : index
      %get3A_315 = tpu.vector_load %arg11[%get3A_313, %get3A_314] {strides = array<i32>} : memref<512x32xf32, #tpu.memory_space<vmem>>, vector<16xf32>,
      %get3A_316 = arith.index_cast %add3A_312 : i32 to index
      %get3A_317 = arith.constant 16 : index
      %get3A_318 = tpu.vector_load %arg11[%get3A_316, %get3A_317] {strides = array<i32>} : memref<512x32xf32, #tpu.memory_space<vmem>>, vector<16xf32>,
      %get3A_319 = arith.index_cast %add3A_312 : i32 to index
      %get3A_320 = arith.constant 0 : index
      %get3A_321 = tpu.vector_load %arg12[%get3A_319, %get3A_320] {strides = array<i32>} : memref<512x32xf32, #tpu.memory_space<vmem>>, vector<16xf32>,
      %get3A_322 = arith.index_cast %add3A_312 : i32 to index
      %get3A_323 = arith.constant 16 : index
      %get3A_324 = tpu.vector_load %arg12[%get3A_322, %get3A_323] {strides = array<i32>} : memref<512x32xf32, #tpu.memory_space<vmem>>, vector<16xf32>,
      %mul3A_325 = arith.mulf %get3A_315, %get3A_321 : vector<16xf32>
      %mul3A_326 = arith.mulf %mul3A_325, %get3A_129 : vector<16xf32>
      %mul3A_327 = arith.mulf %get3A_318, %get3A_324 : vector<16xf32>
      %mul3A_328 = arith.mulf %mul3A_327, %get3A_131 : vector<16xf32>
      %add3A_329 = arith.addf %mul3A_326, %mul3A_328 : vector<16xf32>
      %broadcast_in_dim3A_330 = arith.constant 8 : i32
      %broadcast_in_dim3A_331 = vector.broadcast %broadcast_in_dim3A_330 : i32 to vector<16xi32>
      tpu.vector_store_idx %arg15[%iota3A, %broadcast_in_dim3A_331], %add3A_329 : memref<16x16xf32, #tpu.memory_space<vmem>>[vector<16xi32>, vector<16xi32>], vector<16xf32>,
      %add3A_332 = arith.constant 9 : i32
      %add3A_333 = arith.addi %mul3A_143, %add3A_332 : i32
      %get3A_334 = arith.index_cast %add3A_333 : i32 to index
      %get3A_335 = arith.constant 0 : index
      %get3A_336 = tpu.vector_load %arg11[%get3A_334, %get3A_335] {strides = array<i32>} : memref<512x32xf32, #tpu.memory_space<vmem>>, vector<16xf32>,
      %get3A_337 = arith.index_cast %add3A_333 : i32 to index
      %get3A_338 = arith.constant 16 : index
      %get3A_339 = tpu.vector_load %arg11[%get3A_337, %get3A_338] {strides = array<i32>} : memref<512x32xf32, #tpu.memory_space<vmem>>, vector<16xf32>,
      %get3A_340 = arith.index_cast %add3A_333 : i32 to index
      %get3A_341 = arith.constant 0 : index
      %get3A_342 = tpu.vector_load %arg12[%get3A_340, %get3A_341] {strides = array<i32>} : memref<512x32xf32, #tpu.memory_space<vmem>>, vector<16xf32>,
      %get3A_343 = arith.index_cast %add3A_333 : i32 to index
      %get3A_344 = arith.constant 16 : index
      %get3A_345 = tpu.vector_load %arg12[%get3A_343, %get3A_344] {strides = array<i32>} : memref<512x32xf32, #tpu.memory_space<vmem>>, vector<16xf32>,
      %mul3A_346 = arith.mulf %get3A_336, %get3A_342 : vector<16xf32>
      %mul3A_347 = arith.mulf %mul3A_346, %get3A_129 : vector<16xf32>
      %mul3A_348 = arith.mulf %get3A_339, %get3A_345 : vector<16xf32>
      %mul3A_349 = arith.mulf %mul3A_348, %get3A_131 : vector<16xf32>
      %add3A_350 = arith.addf %mul3A_347, %mul3A_349 : vector<16xf32>
      %broadcast_in_dim3A_351 = arith.constant 9 : i32
      %broadcast_in_dim3A_352 = vector.broadcast %broadcast_in_dim3A_351 : i32 to vector<16xi32>
      tpu.vector_store_idx %arg15[%iota3A, %broadcast_in_dim3A_352], %add3A_350 : memref<16x16xf32, #tpu.memory_space<vmem>>[vector<16xi32>, vector<16xi32>], vector<16xf32>,
      %add3A_353 = arith.constant 10 : i32
      %add3A_354 = arith.addi %mul3A_143, %add3A_353 : i32
      %get3A_355 = arith.index_cast %add3A_354 : i32 to index
      %get3A_356 = arith.constant 0 : index
      %get3A_357 = tpu.vector_load %arg11[%get3A_355, %get3A_356] {strides = array<i32>} : memref<512x32xf32, #tpu.memory_space<vmem>>, vector<16xf32>,
      %get3A_358 = arith.index_cast %add3A_354 : i32 to index
      %get3A_359 = arith.constant 16 : index
      %get3A_360 = tpu.vector_load %arg11[%get3A_358, %get3A_359] {strides = array<i32>} : memref<512x32xf32, #tpu.memory_space<vmem>>, vector<16xf32>,
      %get3A_361 = arith.index_cast %add3A_354 : i32 to index
      %get3A_362 = arith.constant 0 : index
      %get3A_363 = tpu.vector_load %arg12[%get3A_361, %get3A_362] {strides = array<i32>} : memref<512x32xf32, #tpu.memory_space<vmem>>, vector<16xf32>,
      %get3A_364 = arith.index_cast %add3A_354 : i32 to index
      %get3A_365 = arith.constant 16 : index
      %get3A_366 = tpu.vector_load %arg12[%get3A_364, %get3A_365] {strides = array<i32>} : memref<512x32xf32, #tpu.memory_space<vmem>>, vector<16xf32>,
      %mul3A_367 = arith.mulf %get3A_357, %get3A_363 : vector<16xf32>
      %mul3A_368 = arith.mulf %mul3A_367, %get3A_129 : vector<16xf32>
      %mul3A_369 = arith.mulf %get3A_360, %get3A_366 : vector<16xf32>
      %mul3A_370 = arith.mulf %mul3A_369, %get3A_131 : vector<16xf32>
      %add3A_371 = arith.addf %mul3A_368, %mul3A_370 : vector<16xf32>
      %broadcast_in_dim3A_372 = arith.constant 10 : i32
      %broadcast_in_dim3A_373 = vector.broadcast %broadcast_in_dim3A_372 : i32 to vector<16xi32>
      tpu.vector_store_idx %arg15[%iota3A, %broadcast_in_dim3A_373], %add3A_371 : memref<16x16xf32, #tpu.memory_space<vmem>>[vector<16xi32>, vector<16xi32>], vector<16xf32>,
      %add3A_374 = arith.constant 11 : i32
      %add3A_375 = arith.addi %mul3A_143, %add3A_374 : i32
      %get3A_376 = arith.index_cast %add3A_375 : i32 to index
      %get3A_377 = arith.constant 0 : index
      %get3A_378 = tpu.vector_load %arg11[%get3A_376, %get3A_377] {strides = array<i32>} : memref<512x32xf32, #tpu.memory_space<vmem>>, vector<16xf32>,
      %get3A_379 = arith.index_cast %add3A_375 : i32 to index
      %get3A_380 = arith.constant 16 : index
      %get3A_381 = tpu.vector_load %arg11[%get3A_379, %get3A_380] {strides = array<i32>} : memref<512x32xf32, #tpu.memory_space<vmem>>, vector<16xf32>,
      %get3A_382 = arith.index_cast %add3A_375 : i32 to index
      %get3A_383 = arith.constant 0 : index
      %get3A_384 = tpu.vector_load %arg12[%get3A_382, %get3A_383] {strides = array<i32>} : memref<512x32xf32, #tpu.memory_space<vmem>>, vector<16xf32>,
      %get3A_385 = arith.index_cast %add3A_375 : i32 to index
      %get3A_386 = arith.constant 16 : index
      %get3A_387 = tpu.vector_load %arg12[%get3A_385, %get3A_386] {strides = array<i32>} : memref<512x32xf32, #tpu.memory_space<vmem>>, vector<16xf32>,
      %mul3A_388 = arith.mulf %get3A_378, %get3A_384 : vector<16xf32>
      %mul3A_389 = arith.mulf %mul3A_388, %get3A_129 : vector<16xf32>
      %mul3A_390 = arith.mulf %get3A_381, %get3A_387 : vector<16xf32>
      %mul3A_391 = arith.mulf %mul3A_390, %get3A_131 : vector<16xf32>
      %add3A_392 = arith.addf %mul3A_389, %mul3A_391 : vector<16xf32>
      %broadcast_in_dim3A_393 = arith.constant 11 : i32
      %broadcast_in_dim3A_394 = vector.broadcast %broadcast_in_dim3A_393 : i32 to vector<16xi32>
      tpu.vector_store_idx %arg15[%iota3A, %broadcast_in_dim3A_394], %add3A_392 : memref<16x16xf32, #tpu.memory_space<vmem>>[vector<16xi32>, vector<16xi32>], vector<16xf32>,
      %add3A_395 = arith.constant 12 : i32
      %add3A_396 = arith.addi %mul3A_143, %add3A_395 : i32
      %get3A_397 = arith.index_cast %add3A_396 : i32 to index
      %get3A_398 = arith.constant 0 : index
      %get3A_399 = tpu.vector_load %arg11[%get3A_397, %get3A_398] {strides = array<i32>} : memref<512x32xf32, #tpu.memory_space<vmem>>, vector<16xf32>,
      %get3A_400 = arith.index_cast %add3A_396 : i32 to index
      %get3A_401 = arith.constant 16 : index
      %get3A_402 = tpu.vector_load %arg11[%get3A_400, %get3A_401] {strides = array<i32>} : memref<512x32xf32, #tpu.memory_space<vmem>>, vector<16xf32>,
      %get3A_403 = arith.index_cast %add3A_396 : i32 to index
      %get3A_404 = arith.constant 0 : index
      %get3A_405 = tpu.vector_load %arg12[%get3A_403, %get3A_404] {strides = array<i32>} : memref<512x32xf32, #tpu.memory_space<vmem>>, vector<16xf32>,
      %get3A_406 = arith.index_cast %add3A_396 : i32 to index
      %get3A_407 = arith.constant 16 : index
      %get3A_408 = tpu.vector_load %arg12[%get3A_406, %get3A_407] {strides = array<i32>} : memref<512x32xf32, #tpu.memory_space<vmem>>, vector<16xf32>,
      %mul3A_409 = arith.mulf %get3A_399, %get3A_405 : vector<16xf32>
      %mul3A_410 = arith.mulf %mul3A_409, %get3A_129 : vector<16xf32>
      %mul3A_411 = arith.mulf %get3A_402, %get3A_408 : vector<16xf32>
      %mul3A_412 = arith.mulf %mul3A_411, %get3A_131 : vector<16xf32>
      %add3A_413 = arith.addf %mul3A_410, %mul3A_412 : vector<16xf32>
      %broadcast_in_dim3A_414 = arith.constant 12 : i32
      %broadcast_in_dim3A_415 = vector.broadcast %broadcast_in_dim3A_414 : i32 to vector<16xi32>
      tpu.vector_store_idx %arg15[%iota3A, %broadcast_in_dim3A_415], %add3A_413 : memref<16x16xf32, #tpu.memory_space<vmem>>[vector<16xi32>, vector<16xi32>], vector<16xf32>,
      %add3A_416 = arith.constant 13 : i32
      %add3A_417 = arith.addi %mul3A_143, %add3A_416 : i32
      %get3A_418 = arith.index_cast %add3A_417 : i32 to index
      %get3A_419 = arith.constant 0 : index
      %get3A_420 = tpu.vector_load %arg11[%get3A_418, %get3A_419] {strides = array<i32>} : memref<512x32xf32, #tpu.memory_space<vmem>>, vector<16xf32>,
      %get3A_421 = arith.index_cast %add3A_417 : i32 to index
      %get3A_422 = arith.constant 16 : index
      %get3A_423 = tpu.vector_load %arg11[%get3A_421, %get3A_422] {strides = array<i32>} : memref<512x32xf32, #tpu.memory_space<vmem>>, vector<16xf32>,
      %get3A_424 = arith.index_cast %add3A_417 : i32 to index
      %get3A_425 = arith.constant 0 : index
      %get3A_426 = tpu.vector_load %arg12[%get3A_424, %get3A_425] {strides = array<i32>} : memref<512x32xf32, #tpu.memory_space<vmem>>, vector<16xf32>,
      %get3A_427 = arith.index_cast %add3A_417 : i32 to index
      %get3A_428 = arith.constant 16 : index
      %get3A_429 = tpu.vector_load %arg12[%get3A_427, %get3A_428] {strides = array<i32>} : memref<512x32xf32, #tpu.memory_space<vmem>>, vector<16xf32>,
      %mul3A_430 = arith.mulf %get3A_420, %get3A_426 : vector<16xf32>
      %mul3A_431 = arith.mulf %mul3A_430, %get3A_129 : vector<16xf32>
      %mul3A_432 = arith.mulf %get3A_423, %get3A_429 : vector<16xf32>
      %mul3A_433 = arith.mulf %mul3A_432, %get3A_131 : vector<16xf32>
      %add3A_434 = arith.addf %mul3A_431, %mul3A_433 : vector<16xf32>
      %broadcast_in_dim3A_435 = arith.constant 13 : i32
      %broadcast_in_dim3A_436 = vector.broadcast %broadcast_in_dim3A_435 : i32 to vector<16xi32>
      tpu.vector_store_idx %arg15[%iota3A, %broadcast_in_dim3A_436], %add3A_434 : memref<16x16xf32, #tpu.memory_space<vmem>>[vector<16xi32>, vector<16xi32>], vector<16xf32>,
      %add3A_437 = arith.constant 14 : i32
      %add3A_438 = arith.addi %mul3A_143, %add3A_437 : i32
      %get3A_439 = arith.index_cast %add3A_438 : i32 to index
      %get3A_440 = arith.constant 0 : index
      %get3A_441 = tpu.vector_load %arg11[%get3A_439, %get3A_440] {strides = array<i32>} : memref<512x32xf32, #tpu.memory_space<vmem>>, vector<16xf32>,
      %get3A_442 = arith.index_cast %add3A_438 : i32 to index
      %get3A_443 = arith.constant 16 : index
      %get3A_444 = tpu.vector_load %arg11[%get3A_442, %get3A_443] {strides = array<i32>} : memref<512x32xf32, #tpu.memory_space<vmem>>, vector<16xf32>,
      %get3A_445 = arith.index_cast %add3A_438 : i32 to index
      %get3A_446 = arith.constant 0 : index
      %get3A_447 = tpu.vector_load %arg12[%get3A_445, %get3A_446] {strides = array<i32>} : memref<512x32xf32, #tpu.memory_space<vmem>>, vector<16xf32>,
      %get3A_448 = arith.index_cast %add3A_438 : i32 to index
      %get3A_449 = arith.constant 16 : index
      %get3A_450 = tpu.vector_load %arg12[%get3A_448, %get3A_449] {strides = array<i32>} : memref<512x32xf32, #tpu.memory_space<vmem>>, vector<16xf32>,
      %mul3A_451 = arith.mulf %get3A_441, %get3A_447 : vector<16xf32>
      %mul3A_452 = arith.mulf %mul3A_451, %get3A_129 : vector<16xf32>
      %mul3A_453 = arith.mulf %get3A_444, %get3A_450 : vector<16xf32>
      %mul3A_454 = arith.mulf %mul3A_453, %get3A_131 : vector<16xf32>
      %add3A_455 = arith.addf %mul3A_452, %mul3A_454 : vector<16xf32>
      %broadcast_in_dim3A_456 = arith.constant 14 : i32
      %broadcast_in_dim3A_457 = vector.broadcast %broadcast_in_dim3A_456 : i32 to vector<16xi32>
      tpu.vector_store_idx %arg15[%iota3A, %broadcast_in_dim3A_457], %add3A_455 : memref<16x16xf32, #tpu.memory_space<vmem>>[vector<16xi32>, vector<16xi32>], vector<16xf32>,
      %add3A_458 = arith.constant 15 : i32
      %add3A_459 = arith.addi %mul3A_143, %add3A_458 : i32
      %get3A_460 = arith.index_cast %add3A_459 : i32 to index
      %get3A_461 = arith.constant 0 : index
      %get3A_462 = tpu.vector_load %arg11[%get3A_460, %get3A_461] {strides = array<i32>} : memref<512x32xf32, #tpu.memory_space<vmem>>, vector<16xf32>,
      %get3A_463 = arith.index_cast %add3A_459 : i32 to index
      %get3A_464 = arith.constant 16 : index
      %get3A_465 = tpu.vector_load %arg11[%get3A_463, %get3A_464] {strides = array<i32>} : memref<512x32xf32, #tpu.memory_space<vmem>>, vector<16xf32>,
      %get3A_466 = arith.index_cast %add3A_459 : i32 to index
      %get3A_467 = arith.constant 0 : index
      %get3A_468 = tpu.vector_load %arg12[%get3A_466, %get3A_467] {strides = array<i32>} : memref<512x32xf32, #tpu.memory_space<vmem>>, vector<16xf32>,
      %get3A_469 = arith.index_cast %add3A_459 : i32 to index
      %get3A_470 = arith.constant 16 : index
      %get3A_471 = tpu.vector_load %arg12[%get3A_469, %get3A_470] {strides = array<i32>} : memref<512x32xf32, #tpu.memory_space<vmem>>, vector<16xf32>,
      %mul3A_472 = arith.mulf %get3A_462, %get3A_468 : vector<16xf32>
      %mul3A_473 = arith.mulf %mul3A_472, %get3A_129 : vector<16xf32>
      %mul3A_474 = arith.mulf %get3A_465, %get3A_471 : vector<16xf32>
      %mul3A_475 = arith.mulf %mul3A_474, %get3A_131 : vector<16xf32>
      %add3A_476 = arith.addf %mul3A_473, %mul3A_475 : vector<16xf32>
      %broadcast_in_dim3A_477 = arith.constant 15 : i32
      %broadcast_in_dim3A_478 = vector.broadcast %broadcast_in_dim3A_477 : i32 to vector<16xi32>
      tpu.vector_store_idx %arg15[%iota3A, %broadcast_in_dim3A_478], %add3A_476 : memref<16x16xf32, #tpu.memory_space<vmem>>[vector<16xi32>, vector<16xi32>], vector<16xf32>,
      %get3A_479 = arith.constant 0 : i32
      %get3A_480 = arith.index_cast %get3A_479 : i32 to index
      %get3A_481 = arith.constant 0 : index
      %get3A_482 = tpu.vector_load %arg15[%get3A_480, %get3A_481] {strides = array<i32>} : memref<16x16xf32, #tpu.memory_space<vmem>>, vector<16xf32>,
      %get3A_483 = arith.constant 1 : i32
      %get3A_484 = arith.index_cast %get3A_483 : i32 to index
      %get3A_485 = arith.constant 0 : index
      %get3A_486 = tpu.vector_load %arg15[%get3A_484, %get3A_485] {strides = array<i32>} : memref<16x16xf32, #tpu.memory_space<vmem>>, vector<16xf32>,
      %add3A_487 = arith.addf %get3A_482, %get3A_486 : vector<16xf32>
      %get3A_488 = arith.constant 2 : i32
      %get3A_489 = arith.index_cast %get3A_488 : i32 to index
      %get3A_490 = arith.constant 0 : index
      %get3A_491 = tpu.vector_load %arg15[%get3A_489, %get3A_490] {strides = array<i32>} : memref<16x16xf32, #tpu.memory_space<vmem>>, vector<16xf32>,
      %add3A_492 = arith.addf %add3A_487, %get3A_491 : vector<16xf32>
      %get3A_493 = arith.constant 3 : i32
      %get3A_494 = arith.index_cast %get3A_493 : i32 to index
      %get3A_495 = arith.constant 0 : index
      %get3A_496 = tpu.vector_load %arg15[%get3A_494, %get3A_495] {strides = array<i32>} : memref<16x16xf32, #tpu.memory_space<vmem>>, vector<16xf32>,
      %add3A_497 = arith.addf %add3A_492, %get3A_496 : vector<16xf32>
      %get3A_498 = arith.constant 4 : i32
      %get3A_499 = arith.index_cast %get3A_498 : i32 to index
      %get3A_500 = arith.constant 0 : index
      %get3A_501 = tpu.vector_load %arg15[%get3A_499, %get3A_500] {strides = array<i32>} : memref<16x16xf32, #tpu.memory_space<vmem>>, vector<16xf32>,
      %add3A_502 = arith.addf %add3A_497, %get3A_501 : vector<16xf32>
      %get3A_503 = arith.constant 5 : i32
      %get3A_504 = arith.index_cast %get3A_503 : i32 to index
      %get3A_505 = arith.constant 0 : index
      %get3A_506 = tpu.vector_load %arg15[%get3A_504, %get3A_505] {strides = array<i32>} : memref<16x16xf32, #tpu.memory_space<vmem>>, vector<16xf32>,
      %add3A_507 = arith.addf %add3A_502, %get3A_506 : vector<16xf32>
      %get3A_508 = arith.constant 6 : i32
      %get3A_509 = arith.index_cast %get3A_508 : i32 to index
      %get3A_510 = arith.constant 0 : index
      %get3A_511 = tpu.vector_load %arg15[%get3A_509, %get3A_510] {strides = array<i32>} : memref<16x16xf32, #tpu.memory_space<vmem>>, vector<16xf32>,
      %add3A_512 = arith.addf %add3A_507, %get3A_511 : vector<16xf32>
      %get3A_513 = arith.constant 7 : i32
      %get3A_514 = arith.index_cast %get3A_513 : i32 to index
      %get3A_515 = arith.constant 0 : index
      %get3A_516 = tpu.vector_load %arg15[%get3A_514, %get3A_515] {strides = array<i32>} : memref<16x16xf32, #tpu.memory_space<vmem>>, vector<16xf32>,
      %add3A_517 = arith.addf %add3A_512, %get3A_516 : vector<16xf32>
      %get3A_518 = arith.constant 8 : i32
      %get3A_519 = arith.index_cast %get3A_518 : i32 to index
      %get3A_520 = arith.constant 0 : index
      %get3A_521 = tpu.vector_load %arg15[%get3A_519, %get3A_520] {strides = array<i32>} : memref<16x16xf32, #tpu.memory_space<vmem>>, vector<16xf32>,
      %add3A_522 = arith.addf %add3A_517, %get3A_521 : vector<16xf32>
      %get3A_523 = arith.constant 9 : i32
      %get3A_524 = arith.index_cast %get3A_523 : i32 to index
      %get3A_525 = arith.constant 0 : index
      %get3A_526 = tpu.vector_load %arg15[%get3A_524, %get3A_525] {strides = array<i32>} : memref<16x16xf32, #tpu.memory_space<vmem>>, vector<16xf32>,
      %add3A_527 = arith.addf %add3A_522, %get3A_526 : vector<16xf32>
      %get3A_528 = arith.constant 10 : i32
      %get3A_529 = arith.index_cast %get3A_528 : i32 to index
      %get3A_530 = arith.constant 0 : index
      %get3A_531 = tpu.vector_load %arg15[%get3A_529, %get3A_530] {strides = array<i32>} : memref<16x16xf32, #tpu.memory_space<vmem>>, vector<16xf32>,
      %add3A_532 = arith.addf %add3A_527, %get3A_531 : vector<16xf32>
      %get3A_533 = arith.constant 11 : i32
      %get3A_534 = arith.index_cast %get3A_533 : i32 to index
      %get3A_535 = arith.constant 0 : index
      %get3A_536 = tpu.vector_load %arg15[%get3A_534, %get3A_535] {strides = array<i32>} : memref<16x16xf32, #tpu.memory_space<vmem>>, vector<16xf32>,
      %add3A_537 = arith.addf %add3A_532, %get3A_536 : vector<16xf32>
      %get3A_538 = arith.constant 12 : i32
      %get3A_539 = arith.index_cast %get3A_538 : i32 to index
      %get3A_540 = arith.constant 0 : index
      %get3A_541 = tpu.vector_load %arg15[%get3A_539, %get3A_540] {strides = array<i32>} : memref<16x16xf32, #tpu.memory_space<vmem>>, vector<16xf32>,
      %add3A_542 = arith.addf %add3A_537, %get3A_541 : vector<16xf32>
      %get3A_543 = arith.constant 13 : i32
      %get3A_544 = arith.index_cast %get3A_543 : i32 to index
      %get3A_545 = arith.constant 0 : index
      %get3A_546 = tpu.vector_load %arg15[%get3A_544, %get3A_545] {strides = array<i32>} : memref<16x16xf32, #tpu.memory_space<vmem>>, vector<16xf32>,
      %add3A_547 = arith.addf %add3A_542, %get3A_546 : vector<16xf32>
      %get3A_548 = arith.constant 14 : i32
      %get3A_549 = arith.index_cast %get3A_548 : i32 to index
      %get3A_550 = arith.constant 0 : index
      %get3A_551 = tpu.vector_load %arg15[%get3A_549, %get3A_550] {strides = array<i32>} : memref<16x16xf32, #tpu.memory_space<vmem>>, vector<16xf32>,
      %add3A_552 = arith.addf %add3A_547, %get3A_551 : vector<16xf32>
      %get3A_553 = arith.constant 15 : i32
      %get3A_554 = arith.index_cast %get3A_553 : i32 to index
      %get3A_555 = arith.constant 0 : index
      %get3A_556 = tpu.vector_load %arg15[%get3A_554, %get3A_555] {strides = array<i32>} : memref<16x16xf32, #tpu.memory_space<vmem>>, vector<16xf32>,
      %add3A_557 = arith.addf %add3A_552, %get3A_556 : vector<16xf32>
      %add3A_558 = arith.addf %add3A_557, %get3A_133 : vector<16xf32>
      %neg3A = arith.constant 0.000000e+00 : f32
      %neg3A_559 = vector.broadcast %neg3A : f32 to vector<16xf32>
      %neg3A_560 = arith.subf %neg3A_559, %add3A_558 : vector<16xf32>
      %exp3A = math.exp %neg3A_560 : vector<16xf32>
      %add3A_561 = arith.constant 1.000000e+00 : f32
      %add3A_562 = vector.broadcast %add3A_561 : f32 to vector<16xf32>
      %add3A_563 = arith.addf %add3A_562, %exp3A : vector<16xf32>
      %div3A = arith.constant 1.000000e+00 : f32
      %div3A_564 = vector.broadcast %div3A : f32 to vector<16xf32>
      %div3A_565 = arith.divf %div3A_564, %add3A_563 : vector<16xf32>
      %multiple_of3A = tpu.assume_multiple %mul3A_143, 16 : i32
      %swap3A = arith.index_cast %multiple_of3A : i32 to index
      %swap3A_566 = tpu.vector_load %arg16[%swap3A] {strides = array<i32>} : memref<512xf32, #tpu.memory_space<vmem>>, vector<16xf32>,
      tpu.vector_store %arg16[%swap3A], %div3A_565 {strides = array<i32>} : memref<512xf32, #tpu.memory_space<vmem>>, vector<16xf32>,
      %scan3A_567 = arith.constant 0 : i32
      scf.yield %scan3A_567 : i32
    }
    %scan3A_139 = arith.constant 32 : i32
    "tpu.region"() ({
      %run_scoped3A = tpu.sem_alloc : memref<!tpu.dma_semaphore, #tpu.memory_space<semaphore_mem>>
      %dma_start3A_140 = tpu.memref_slice %arg8[%mul3A_2] : memref<16384xf32, #tpu.memory_space<hbm>> -> memref<512xf32, #tpu.memory_space<hbm>>
      %dma_start3A_141 = tpu.memref_slice %arg8[%mul3A_2] : memref<16384xf32, #tpu.memory_space<hbm>> -> memref<512xf32, #tpu.memory_space<hbm>>
      tpu.enqueue_dma source(%arg16 : memref<512xf32, #tpu.memory_space<vmem>>) target(%dma_start3A_141 : memref<512xf32, #tpu.memory_space<hbm>>) target_semaphore(%run_scoped3A : memref<!tpu.dma_semaphore, #tpu.memory_space<semaphore_mem>>)
      %dma_wait3A_142 = tpu.memref_slice %arg8[%mul3A_2] : memref<16384xf32, #tpu.memory_space<hbm>> -> memref<512xf32, #tpu.memory_space<hbm>>
      %dma_wait3A_143 = tpu.memref_slice %arg8[%mul3A_2] : memref<16384xf32, #tpu.memory_space<hbm>> -> memref<512xf32, #tpu.memory_space<hbm>>
      tpu.wait_dma2 semaphore(%run_scoped3A : memref<!tpu.dma_semaphore, #tpu.memory_space<semaphore_mem>>) src(%arg16 : memref<512xf32, #tpu.memory_space<vmem>>) dst(%dma_wait3A_143 : memref<512xf32, #tpu.memory_space<hbm>>)
      tpu.yield
    }) : () -> ()
    return
  }
}

</mosaic_0001>

<sc_bundles>
// kernel: _gmf_call.3.cloned.1.call-start
scs
__scs_entry_jumppad:
0x0: {  	(pc) =	sbr.rel $0x88, $3  }
0x1: {  	(tag) =	ssettag $0x0;
	lr =	simm.s32 $0x1  }
0x2: {  	[smem:$0x3F9B] =	sst lr;
	_ =	strace $0xD0000000  }
0x3: {  	_ = 	snop  }
0x4: {  	_ = 	snop  }
0x5: {  	_ = 	snop  }
0x6: {  	_ = 	snop  }
0x7: {  	_ = 	snop  }
__scs_overlays_trampoline_lowered:
0x8: {  	[smem:$0x3FAA] =	sst s0  }
0x9: {  	[smem:$0x3FAB] =	sst s1  }
0xa: {  	[smem:$0x3FAC] =	sst s2  }
0xb: {  	[smem:$0x3FAD] =	sst s3  }
0xc: {  	[smem:$0x3FAE] =	sst s4  }
0xd: {  	[smem:$0x3FAF] =	sst s5  }
0xe: {  	[smem:$0x3FB0] =	sst s6  }
0xf: {  	[smem:$0x3FB1] =	sst s7  }
0x10: {  	[smem:$0x3FB2] =	sst s8  }
0x11: {  	[smem:$0x3FB3] =	sst s9;
	s0 =	simm.s32 @!p0 $0x0  }
0x12: {  	s1 =	sld [smem:$0x3F99];
	s0 =	simm.s32 @p0 $0x1  }
0x13: {  	[smem:$0x3FB4] =	sst s0;
	s0 =	simm.s32 @!p1 $0x0  }
0x14: {  	s2 =	sld [smem:$0x3F98];
	s0 =	simm.s32 @p1 $0x1  }
0x15: {  	[smem:$0x3FB5] =	sst s0;
	s0 =	simm.s32 @!p2 $0x0  }
0x16: {  	s3 =	sld [smem:$0x3FDB];
	s0 =	simm.s32 @p2 $0x1  }
0x17: {  	s4 =	simm.s32 $0x1BF5;
	[smem:$0x3FB7] =	sst s0  }
0x18: {  	s0 =	sld [smem:$0x3F9A];
	_ =	swait.ge [sflag:s4], $0x0  }
0x19: {  	s7 =	sld [smem:$0x3F9B]  }
0x1a: {  	s8 =	sadd.s32 $0xFFFFE003, lr  }
0x1b: {  	s9 =	sadd.s32 $0xFFFFFEF7, lr;
	s5 =	simm.s32 $0xFFFFFFFF;
	p2 =	slt.u32 s8, $0xFFFFF086  }
0x1c: {  	p1 =	slt.u32 s9, $0xF7A;
	s5 =	simm.s32 @!p2 $0x0  }
0x1d: {  	s5 =	simm.s32 @p1 $0x1;
	p0 =	seq.s32 s7, s2  }
0x1e: {  	s7 =	smul.u32 @!p0 $0xF7A, s2;
	p2 =	seq.s32 @!p0 s5, $0x0  }
0x1f: {  	s9 =	smul.u32 $0xF7A, s1;
	s8 =	simm.s32 @!p0 $0x1BF5;
	p2 =	por !p2, p0  }
0x20: {  	[sflag:s8] =	ssyncset.s32 @!p0 $0xFFFFF086;
	s6 =	sadd.s32 @!p0 s3, s7;
	s7 =	simm.s32 @!p0 $0x108  }
0x21: {  	s3 =	sadd.s32 s3, s9;
	s6 =	sadd.s32 @!p0 $0x88, s6;
	s7 =	simm.s32 @p2 $0x1082  }
0x22: {  	[simem:s7], [sflag:s8] =	dma.local @!p0 [hbm:s6], $0xF7A  }
0x23: {  	s9 =	sor.u32 $0xD0000000, s2;
	s6 =	simm.s32 $0x108;
	_ =	swait.ge @!p0 [sflag:s8], $0x0  }
0x24: {  	s3 =	sadd.s32 $0x88, s3;
	s6 =	simm.s32 @!p1 $0x1082;
	[sflag:s4] =	ssyncset.s32 $0xFFFFF086  }
0x25: {  	[simem:s6], [sflag:s4] =	dma.local [hbm:s3], $0xF7A  }
0x26: {  	[smem:$0x3F9B] =	sst s1;
	(tag) =	ssettag s2;
	_ =	strace s9  }
0x27: {  	s1 =	sld [smem:$0x3FAB]  }
0x28: {  	s2 =	sld [smem:$0x3FAC]  }
0x29: {  	s4 =	sld [smem:$0x3FAE]  }
0x2a: {  	p0 =	seq.s32 s5, $0x0;
	s5 =	sld [smem:$0x3FAF]  }
0x2b: {  	s6 =	sld [smem:$0x3FB0]  }
0x2c: {  	s7 =	sld [smem:$0x3FB1]  }
0x2d: {  	s3 =	simm.s32 $0x108;
	s8 =	sld [smem:$0x3FB2]  }
0x2e: {  	s3 =	simm.s32 @!p0 $0x1082;
	s9 =	sld [smem:$0x3FB3]  }
0x2f: {  	lr =	sadd.s32 s0, s3;
	s0 =	sld [smem:$0x3FAA]  }
0x30: {  	s3 =	sld [smem:$0x3FAD]  }
0x31: {  	[smem:$0x3FB6] =	sst s10  }
0x32: {  	s10 =	sld [smem:$0x3FB4];
	_ =	sdelay $0x3  }
0x33: {  	p0 =	seq.s32 s10, $0x1;
	s10 =	sld [smem:$0x3FB6];
	_ =	sdelay $0x3  }
0x34: {  	[smem:$0x3FB6] =	sst s10  }
0x35: {  	s10 =	sld [smem:$0x3FB5];
	_ =	sdelay $0x3  }
0x36: {  	p1 =	seq.s32 s10, $0x1;
	s10 =	sld [smem:$0x3FB6];
	_ =	sdelay $0x3  }
0x37: {  	[smem:$0x3FB6] =	sst s10  }
0x38: {  	s10 =	sld [smem:$0x3FB7]  }
0x39: {  	_ = 	snop;
	(pc) =	sbr.ind lr, $3  }
0x3a: {  	_ = 	snop  }
0x3b: {  	_ = 	snop  }
0x3c: {  	p2 =	seq.s32 s10, $0x1;
	s10 =	sld [smem:$0x3FB6]  }
0x3d: {  	_ =	shalt  }
0x3e: {  	_ =	shalt  }
0x3f: {  	_ =	shalt  }
0x40: {  	_ =	shalt  }
0x41: {  	_ =	shalt  }
0x42: {  	_ =	shalt  }
0x43: {  	_ =	shalt  }
0x44: {  	_ =	shalt  }
0x45: {  	_ =	shalt  }
0x46: {  	_ =	shalt  }
0x47: {  	_ =	shalt  }
0x48: {  	_ =	shalt  }
0x49: {  	_ =	shalt  }
0x4a: {  	_ =	shalt  }
0x4b: {  	_ =	shalt  }
0x4c: {  	_ =	shalt  }
0x4d: {  	_ =	shalt  }
0x4e: {  	_ =	shalt  }
0x4f: {  	_ =	shalt  }
0x50: {  	_ =	shalt  }
0x51: {  	_ =	shalt  }
0x52: {  	_ =	shalt  }
0x53: {  	_ =	shalt  }
0x54: {  	_ =	shalt  }
0x55: {  	_ =	shalt  }
0x56: {  	_ =	shalt  }
0x57: {  	_ =	shalt  }
0x58: {  	_ =	shalt  }
0x59: {  	_ =	shalt  }
0x5a: {  	_ =	shalt  }
0x5b: {  	_ =	shalt  }
0x5c: {  	_ =	shalt  }
0x5d: {  	_ =	shalt  }
0x5e: {  	_ =	shalt  }
0x5f: {  	_ =	shalt  }
0x60: {  	_ =	shalt  }
0x61: {  	_ =	shalt  }
0x62: {  	_ =	shalt  }
0x63: {  	_ =	shalt  }
0x64: {  	_ =	shalt  }
0x65: {  	_ =	shalt  }
0x66: {  	_ =	shalt  }
0x67: {  	_ =	shalt  }
0x68: {  	_ =	shalt  }
0x69: {  	_ =	shalt  }
0x6a: {  	_ =	shalt  }
0x6b: {  	_ =	shalt  }
0x6c: {  	_ =	shalt  }
0x6d: {  	_ =	shalt  }
0x6e: {  	_ =	shalt  }
0x6f: {  	_ =	shalt  }
0x70: {  	_ =	shalt  }
0x71: {  	_ =	shalt  }
0x72: {  	_ =	shalt  }
0x73: {  	_ =	shalt  }
0x74: {  	_ =	shalt  }
0x75: {  	_ =	shalt  }
0x76: {  	_ =	shalt  }
0x77: {  	_ =	shalt  }
0x78: {  	_ =	shalt  }
0x79: {  	_ =	shalt  }
0x7a: {  	_ =	shalt  }
0x7b: {  	_ =	shalt  }
0x7c: {  	_ =	shalt  }
0x7d: {  	_ =	shalt  }
0x7e: {  	_ =	shalt  }
0x7f: {  	_ =	shalt  }
0x80: {  	_ =	shalt  }
0x81: {  	_ =	shalt  }
0x82: {  	_ =	shalt  }
0x83: {  	_ =	shalt  }
0x84: {  	_ =	shalt  }
0x85: {  	_ =	shalt  }
0x86: {  	_ =	shalt  }
0x87: {  	_ =	shalt  }
.Lfunc_end0:
.L_simem_size_0:
called_computation_lowered:
.L_overlay_start_0:
0x88: {  	s2 =	sld [smem:$0x3FD9]  }
0x89: {  	s3 =	sld [smem:$0x3FFE];
	_ =	sdelay $0x1  }
0x8a: {  	s1 =	srdreg.scid  }
0x8b: {  	s0 =	sand.u32 $0x1, s1  }
0x8c: {  	s17 =	sshll.u32 s0, $0xA;
	s2 =	sadd.s32 s3, s2  }
0x8d: {  	s2 =	sadd.s32 s2, s17  }
0x8e: {  	[smem:$0x3FC2] =	sst s2  }
0x8f: {  	_ = 	snop  }
0x90: {  	s2 =	sld [smem:$0x3FC9]  }
0x91: {  	s18 =	sld [smem:$0x3FC8]  }
0x92: {  	s4 =	sld [smem:$0x3FC5]  }
0x93: {  	s5 =	sld [smem:$0x3FC4]  }
0x94: {  	s6 =	sld [smem:$0x3FD0];
	(tm) =	ssettm $0x1  }
0x95: {  	s7 =	sld [smem:$0x3FFB];
	_ =	sdelay $0x3  }
0x96: {  	_ =	strace s7  }
0x97: {  	s7 =	sld [smem:$0x3FFC];
	_ =	sdelay $0x3  }
0x98: {  	_ =	strace s7  }
0x99: {  	s7 =	sld [smem:$0x3FFD];
	_ =	sdelay $0x3  }
0x9a: {  	_ =	strace s7  }
0x9b: {  	_ =	strace $0x8FFFFFFF  }
0x9c: {  	s19 =	sld [smem:$0x3FDB];
	_ =	sdelay $0x1  }
0x9d: {  	s8 =	simm.s32 $_scs_section_size  }
0x9e: {  	s9 =	simm.s32 $_size__tile_overlayer_lowered;
	s10 =	simm.s32 $_tile_overlayer_lowered  }
0x9f: {  	s22 =	simm.s32 $0x1BFF;
	s21 =	sshll.u32 s10, $0x1;
	s7 =	sadd.s32 s8, s19  }
0xa0: {  	s11 =	simm.s32 $0x0;
	s20 =	sshll.u32 s9, $0x1;
	s9 =	sadd.s32 s21, s7  }
0xa1: {  	[timem:s11], [sflag:s22] =	dma.local [hbm:s9], s20  }
0xa2: {  	_ =	swait.ge [sflag:s22], s20  }
0xa3: {  	s8 =	ssub.s32 $0x0, s20;
	[sflag:s22] =	ssyncset.done $0x0  }
0xa4: {  	[sflag:s22] =	ssyncadd.s32 s8;
	_ =	sdelay $0x1  }
0xa5: {  	s23 =	simm.s32 $0x1B8B  }
0xa6: {  	_ =	swait.ge [sflag:s23], $0x1  }
0xa7: {  	[sflag:s23] =	ssyncset.done $0x0  }
0xa8: {  	s25 =	simm.s32 $0x1B8E;
	s24 =	sld [smem:$0x3FFE];
	[sflag:s23] =	ssyncadd.s32 $0xFFFFFFFF  }
0xa9: {  	s26 =	simm.s32 $execute0_lowered;
	[smem:$0x3FD2] =	sst s25  }
0xaa: {  	s9 =	sshll.u32 s26, $0x1;
	_ =	strace $0x80000046;
	[dreg:$0x1] =	wrdreg $0xFFFFFFFF  }
0xab: {  	s28 =	simm.s32 $_size_execute0_lowered;
	s7 =	sadd.s32 s7, s9;
	[dreg:$0x0] =	wrdreg $0x0  }
0xac: {  	s9 =	sshll.u32 s28, $0x1;
	[dreg:$0x2] =	wrdreg s7  }
0xad: {  	[dreg:$0x3] =	wrdreg s9  }
0xae: {  	[dreg:$0x4] =	wrdreg $0xC0  }
0xaf: {  	_ =	task [dreg:s11], $0x5FFFF  }
0xb0: {  	[dreg:$0x1] =	wrdreg $0xFFFFFFFF  }
0xb1: {  	[dreg:$0x0] =	wrdreg $0x60  }
0xb2: {  	[dreg:$0x2] =	wrdreg s2  }
0xb3: {  	[dreg:$0x3] =	wrdreg s18  }
0xb4: {  	[dreg:$0x4] =	wrdreg s24  }
0xb5: {  	[dreg:$0x5] =	wrdreg s4  }
0xb6: {  	[dreg:$0x6] =	wrdreg s5  }
0xb7: {  	[dreg:$0x7] =	wrdreg s6  }
0xb8: {  	[dreg:$0x8] =	wrdreg $0x9  }
0xb9: {  	_ =	task.clear_ibuf [dreg:s11], $0x9FFFF;
	_ =	strace $0x90000046  }
0xba: {  	s29 =	simm.s32 $0x9;
	_ =	strace $0x80000048  }
0xbb: {  	_ =	swait.ge [sflag:s29], $0x1  }
0xbc: {  	[sflag:s29] =	ssyncadd.s32 $0xFFFFFFFF  }
0xbd: {  	_ =	strace $0x90000048  }
0xbe: {  	_ =	sfence  }
0xbf: {  	s30 =	sld [smem:$0x0];
	_ =	sdelay $0x2  }
0xc0: {  	s31 =	sshll.u32 s1, $0xD;
	s1 =	sshrl.u32 s1, $0x2  }
0xc1: {  	s3 =	sand.u32 $0x4000, s31;
	s1 =	sadd.s32 s1, s30  }
0xc2: {  	s0 =	sor.u32 s3, s0;
	s1 =	sshll.u32 s1, $0x11  }
0xc3: {  	s0 =	sor.u32 s1, s0  }
0xc4: {  	s0 =	sadd.s32 $0x8F2B, s0  }
0xc5: {  	[sflag:s0] =	ssyncadd.remote.s32 $0x1  }
0xc6: {  	_ =	sfence.sel $0xFFFF  }
0xc7: {  	[dreg:$0x0] =	wrdreg $0xFFFFFFFF;
	(pc) =	sbr.abs _section_cstart, $3  }
0xc8: {  	[dreg:$0x1] =	wrdreg $0xFFFFFFFF  }
0xc9: {  	_ =	task.clear_ibuf [dreg:s11], $0x2FFFF;
	_ =	strace $0x9FFFFFFF  }
0xca: {  	(tm) =	ssettm $0x7FFFFFFF  }
0xcb: {  	_ =	shalt  }
tec
execute0_lowered:
.L_overlay_start_1:
0x0: {  	(tag) =	ssettag $0x1  }
0x1: {  	s0 =	rddreg [dreg:$0x0]  }
0x2: {  	s1 =	rddreg [dreg:$0x1]  }
0x3: {  	s2 =	rddreg [dreg:$0x2]  }
0x4: {  	s4 =	rddreg [dreg:$0x5];
	s3 =	simm.s32 $0x0;
	s6 =	srdreg.scid  }
0x5: {  	s8 =	stileid.u32;
	s11 =	simm.s32 $0x2;
	s12 =	simm.s32 $0x200  }
0x6: {  	s15 =	simm.s32 $0x80;
	s16 =	simm.s32 $0x400;
	s17 =	simm.s32 $0x4400  }
0x7: {  	s18 =	simm.s32 $0x1400;
	s19 =	simm.s32 $0x280;
	s20 =	simm.s32 $0x5400  }
0x8: {  	s21 =	simm.s32 $0x100;
	s22 =	simm.s32 $0x2400;
	s23 =	simm.s32 $0x300  }
0x9: {  	v0 =	vlaneseq.u32;
	s24 =	simm.s32 $0x6400;
	s25 =	simm.s32 $0x180;
	s28 =	simm.s32 $0x380  }
0xa: {  	s29 =	simm.s32 $0x7400;
	s30 =	simm.s32 $0x1;
	s31 =	simm.s32 $0x8430;
	v0 =	vmul.u32 $0x10, v0  }
0xb: {  	[smem:$0x7FF] =	sst s3;
	s5 =	sadd.s32 $0xF42800, s2;
	s6 =	sand.u32 $0x1, s6  }
0xc: {  	s8 =	sshll.u32 s8, $0x7;
	s7 =	ssub.s32 $0x2, s6;
	s9 =	sshll.u32 s6, $0x6;
	v1 =	vor.u32 $0x1, v0;
	v2 =	vor.u32 $0x2, v0;
	v3 =	vor.u32 $0x3, v0  }
0xd: {  	_ =	strace $0x80000047;
	s26 =	sshrl.u32 s7, $0x1;
	s9 =	sor.u32 s9, s8;
	v4 =	vor.u32 $0x4, v0;
	v5 =	vor.u32 $0x5, v0;
	v6 =	vor.u32 $0x6, v0  }
0xe: {  	s6 =	sadd.s32 $0x1313200, s2;
	v7 =	vor.u32 $0x7, v0;
	v8 =	vor.u32 $0x8, v0;
	v9 =	vor.u32 $0x9, v0;
	s2 =	ssub.s32 s7, s26;
	s7 =	sadd.s32 s0, s9  }
0xf: {  	v10 =	vor.u32 $0xA, v0;
	v11 =	vor.u32 $0xB, v0;
	v12 =	vor.u32 $0xC, v0;
	s8 =	sadd.s32 s1, s9;
	s9 =	sadd.s32 s4, s9;
	s26 =	simm.s32 $0x3400  }
0x10: {  	v13 =	vor.u32 $0xD, v0;
	v14 =	vor.u32 $0xE, v0;
	v15 =	vor.u32 $0xF, v0;
	s0 =	simm.s32 $0x8530;
	s4 =	simm.s32 $0x0;
	s10 =	smax.u32 s2, $0x1  }
.LBB2_1:
0x11: {  	[tilespmem:s3], [sflag:$0x2] =	stream.linear.gather [hbm4b:s7+s3], $0x200, $0x38;
	[tilespmem:$0x8730] =	vst v63  }
0x12: {  	_ =	swait.ge [sflag:s11], $0x200  }
0x13: {  	[sflag:s11] =	ssyncset.done $0x0  }
0x14: {  	[sflag:s11] =	ssyncadd.s32 $0xFFFFFE00  }
0x15: {  	[tilespmem:s12], [sflag:$0x2] =	stream.linear.gather [hbm4b:s8+s3], $0x200, $0x38;
	[tilespmem:$0x8730] =	vst v63  }
0x16: {  	_ =	swait.ge [sflag:s11], $0x200  }
0x17: {  	[sflag:s11] =	ssyncset.done $0x0  }
0x18: {  	[sflag:s11] =	ssyncadd.s32 $0xFFFFFE00  }
0x19: {  	s2 =	simm.s32 $0x8400;
	s1 =	rddreg [dreg:$0x3]  }
0x1a: {  	[tilespmem:s2], [sflag:$0x2] =	stream.linear.gather [hbm4b:s1+s3], $0x20, $0x38;
	[tilespmem:$0x8730] =	vst v63  }
0x1b: {  	_ =	swait.ge [sflag:s11], $0x20  }
0x1c: {  	[sflag:s11] =	ssyncset.done $0x0  }
0x1d: {  	[sflag:s11] =	ssyncadd.s32 $0xFFFFFFE0  }
0x1e: {  	s13 =	simm.s32 $0x8420;
	s2 =	rddreg [dreg:$0x4]  }
0x1f: {  	[tilespmem:s13], [sflag:$0x2] =	stream.linear.gather [hbm4b:s2+s3], $0x10, $0x38;
	[tilespmem:$0x8730] =	vst v63  }
0x20: {  	_ =	swait.ge [sflag:s11], $0x10  }
0x21: {  	[sflag:s11] =	ssyncset.done $0x0  }
0x22: {  	[sflag:s11] =	ssyncadd.s32 $0xFFFFFFF0  }
0x23: {  	[tilespmem:s16], [sflag:$0x1] =	stream.indirect.gather [hbm4b:s5+s15], $0x20, s3, s15, $0xb8;
	[tilespmem:$0x8730] =	vst v63  }
0x24: {  	_ = 	snop  }
0x25: {  	[tilespmem:s17], [sflag:$0x1] =	stream.indirect.gather [hbm4b:s6+s15], $0x20, s12, s15, $0xb8;
	[tilespmem:$0x8730] =	vst v63  }
0x26: {  	_ = 	snop  }
0x27: {  	[tilespmem:s18], [sflag:$0x1] =	stream.indirect.gather [hbm4b:s5+s15], $0x20, s15, s15, $0xb8;
	[tilespmem:$0x8730] =	vst v63  }
0x28: {  	_ = 	snop  }
0x29: {  	[tilespmem:s20], [sflag:$0x1] =	stream.indirect.gather [hbm4b:s6+s15], $0x20, s19, s15, $0xb8;
	[tilespmem:$0x8730] =	vst v63  }
0x2a: {  	_ = 	snop  }
0x2b: {  	[tilespmem:s22], [sflag:$0x1] =	stream.indirect.gather [hbm4b:s5+s15], $0x20, s21, s15, $0xb8;
	[tilespmem:$0x8730] =	vst v63  }
0x2c: {  	_ = 	snop  }
0x2d: {  	[tilespmem:s24], [sflag:$0x1] =	stream.indirect.gather [hbm4b:s6+s15], $0x20, s23, s15, $0xb8;
	[tilespmem:$0x8730] =	vst v63  }
0x2e: {  	_ = 	snop  }
0x2f: {  	[tilespmem:s26], [sflag:$0x1] =	stream.indirect.gather [hbm4b:s5+s15], $0x20, s25, s15, $0xb8;
	[tilespmem:$0x8730] =	vst v63  }
0x30: {  	_ = 	snop  }
0x31: {  	[tilespmem:s29], [sflag:$0x1] =	stream.indirect.gather [hbm4b:s6+s15], $0x20, s28, s15, $0xb8;
	[tilespmem:$0x8730] =	vst v63  }
0x32: {  	_ =	swait.ge [sflag:s30], $0x1000  }
0x33: {  	[sflag:s30] =	ssyncset.done $0x0  }
0x34: {  	[sflag:s30] =	ssyncadd.s32 $0xFFFFF000  }
0x35: {  	_ =	swait.ge [sflag:s30], $0x1000  }
0x36: {  	[sflag:s30] =	ssyncset.done $0x0  }
0x37: {  	[sflag:s30] =	ssyncadd.s32 $0xFFFFF000  }
0x38: {  	_ =	swait.ge [sflag:s30], $0x1000  }
0x39: {  	[sflag:s30] =	ssyncset.done $0x0  }
0x3a: {  	[sflag:s30] =	ssyncadd.s32 $0xFFFFF000  }
0x3b: {  	_ =	swait.ge [sflag:s30], $0x1000  }
0x3c: {  	[sflag:s30] =	ssyncset.done $0x0  }
0x3d: {  	[sflag:s30] =	ssyncadd.s32 $0xFFFFF000  }
0x3e: {  	_ =	swait.ge [sflag:s30], $0x1000  }
0x3f: {  	[sflag:s30] =	ssyncset.done $0x0  }
0x40: {  	[sflag:s30] =	ssyncadd.s32 $0xFFFFF000  }
0x41: {  	_ =	swait.ge [sflag:s30], $0x1000  }
0x42: {  	[sflag:s30] =	ssyncset.done $0x0  }
0x43: {  	[sflag:s30] =	ssyncadd.s32 $0xFFFFF000  }
0x44: {  	_ =	swait.ge [sflag:s30], $0x1000  }
0x45: {  	[sflag:s30] =	ssyncset.done $0x0  }
0x46: {  	[sflag:s30] =	ssyncadd.s32 $0xFFFFF000  }
0x47: {  	_ =	swait.ge [sflag:s30], $0x1000  }
0x48: {  	[sflag:s30] =	ssyncset.done $0x0  }
0x49: {  	s14 =	simm.s32 $0x0;
	[sflag:s30] =	ssyncadd.s32 $0xFFFFF000  }
0x4a: {  	v16 =	vld [tilespmem:s14+$0x4410]  }
0x4b: {  	v19 =	vld [tilespmem:s14+$0x4400]  }
0x4c: {  	v20 =	vld [tilespmem:s14+$0x400]  }
0x4d: {  	v21 =	vld [tilespmem:s14+$0x410]  }
0x4e: {  	v17 =	vld [tilespmem:$0x8400]  }
0x4f: {  	v18 =	vld [tilespmem:$0x8410];
	_ =	sdelay $0x2  }
0x50: {  	v19 =	vmul.f32 v19, v20;
	v16 =	vmul.f32 v16, v21;
	_ =	sdelay $0x1  }
0x51: {  	v19 =	vmul.f32 v19, v17;
	v16 =	vmul.f32 v16, v18;
	_ =	sdelay $0x1  }
0x52: {  	v19 =	vadd.f32 v16, v19;
	_ =	sdelay $0x1  }
0x53: {  	v16 =	vld [tilespmem:$0x8420];
	[tilespmem:v0+s31+$0x0] =	vst.idx.msk $0xffff, v19  }
0x54: {  	v19 =	vld [tilespmem:s14+$0x4420]  }
0x55: {  	v20 =	vld [tilespmem:s14+$0x430]  }
0x56: {  	v21 =	vld [tilespmem:s14+$0x420]  }
0x57: {  	v22 =	vld [tilespmem:s14+$0x4430];
	_ =	sdelay $0x4  }
0x58: {  	v19 =	vmul.f32 v19, v21;
	v20 =	vmul.f32 v22, v20;
	_ =	sdelay $0x1  }
0x59: {  	v19 =	vmul.f32 v19, v17;
	v20 =	vmul.f32 v20, v18;
	_ =	sdelay $0x1  }
0x5a: {  	v19 =	vadd.f32 v20, v19;
	_ =	sdelay $0x1  }
0x5b: {  	[tilespmem:v1+s31+$0x0] =	vst.idx.msk $0xffff, v19  }
0x5c: {  	v19 =	vld [tilespmem:s14+$0x440]  }
0x5d: {  	v20 =	vld [tilespmem:s14+$0x4450]  }
0x5e: {  	v21 =	vld [tilespmem:s14+$0x450]  }
0x5f: {  	v22 =	vld [tilespmem:s14+$0x4440];
	_ =	sdelay $0x4  }
0x60: {  	v20 =	vmul.f32 v20, v21;
	v19 =	vmul.f32 v22, v19;
	_ =	sdelay $0x1  }
0x61: {  	v20 =	vmul.f32 v20, v18;
	v19 =	vmul.f32 v19, v17;
	_ =	sdelay $0x1  }
0x62: {  	v19 =	vadd.f32 v20, v19;
	_ =	sdelay $0x1  }
0x63: {  	[tilespmem:v2+s31+$0x0] =	vst.idx.msk $0xffff, v19  }
0x64: {  	v19 =	vld [tilespmem:s14+$0x4460]  }
0x65: {  	v20 =	vld [tilespmem:s14+$0x470]  }
0x66: {  	v21 =	vld [tilespmem:s14+$0x460]  }
0x67: {  	v22 =	vld [tilespmem:s14+$0x4470];
	_ =	sdelay $0x4  }
0x68: {  	v19 =	vmul.f32 v19, v21;
	v20 =	vmul.f32 v22, v20;
	_ =	sdelay $0x1  }
0x69: {  	v19 =	vmul.f32 v19, v17;
	v20 =	vmul.f32 v20, v18;
	_ =	sdelay $0x1  }
0x6a: {  	v19 =	vadd.f32 v20, v19;
	_ =	sdelay $0x1  }
0x6b: {  	[tilespmem:v3+s31+$0x0] =	vst.idx.msk $0xffff, v19  }
0x6c: {  	v19 =	vld [tilespmem:s14+$0x480]  }
0x6d: {  	v20 =	vld [tilespmem:s14+$0x4490]  }
0x6e: {  	v21 =	vld [tilespmem:s14+$0x490]  }
0x6f: {  	v22 =	vld [tilespmem:s14+$0x4480];
	_ =	sdelay $0x4  }
0x70: {  	v20 =	vmul.f32 v20, v21;
	v19 =	vmul.f32 v22, v19;
	_ =	sdelay $0x1  }
0x71: {  	v20 =	vmul.f32 v20, v18;
	v19 =	vmul.f32 v19, v17;
	_ =	sdelay $0x1  }
0x72: {  	v19 =	vadd.f32 v20, v19;
	_ =	sdelay $0x1  }
0x73: {  	[tilespmem:v4+s31+$0x0] =	vst.idx.msk $0xffff, v19  }
0x74: {  	v19 =	vld [tilespmem:s14+$0x44A0]  }
0x75: {  	v20 =	vld [tilespmem:s14+$0x4B0]  }
0x76: {  	v21 =	vld [tilespmem:s14+$0x4A0]  }
0x77: {  	v22 =	vld [tilespmem:s14+$0x44B0];
	_ =	sdelay $0x4  }
0x78: {  	v19 =	vmul.f32 v19, v21;
	v20 =	vmul.f32 v22, v20;
	_ =	sdelay $0x1  }
0x79: {  	v19 =	vmul.f32 v19, v17;
	v20 =	vmul.f32 v20, v18;
	_ =	sdelay $0x1  }
0x7a: {  	v19 =	vadd.f32 v20, v19;
	_ =	sdelay $0x1  }
0x7b: {  	[tilespmem:v5+s31+$0x0] =	vst.idx.msk $0xffff, v19  }
0x7c: {  	v19 =	vld [tilespmem:s14+$0x4C0]  }
0x7d: {  	v20 =	vld [tilespmem:s14+$0x4D0]  }
0x7e: {  	v21 =	vld [tilespmem:s14+$0x44D0]  }
0x7f: {  	v22 =	vld [tilespmem:s14+$0x44C0];
	_ =	sdelay $0x4  }
0x80: {  	v20 =	vmul.f32 v21, v20;
	v19 =	vmul.f32 v22, v19;
	_ =	sdelay $0x1  }
0x81: {  	v20 =	vmul.f32 v20, v18;
	v19 =	vmul.f32 v19, v17;
	_ =	sdelay $0x1  }
0x82: {  	v19 =	vadd.f32 v20, v19;
	_ =	sdelay $0x1  }
0x83: {  	[tilespmem:v6+s31+$0x0] =	vst.idx.msk $0xffff, v19  }
0x84: {  	v19 =	vld [tilespmem:s14+$0x44E0]  }
0x85: {  	v20 =	vld [tilespmem:s14+$0x4F0]  }
0x86: {  	v21 =	vld [tilespmem:s14+$0x4E0]  }
0x87: {  	v22 =	vld [tilespmem:s14+$0x44F0];
	_ =	sdelay $0x4  }
0x88: {  	v19 =	vmul.f32 v19, v21;
	v20 =	vmul.f32 v22, v20;
	_ =	sdelay $0x1  }
0x89: {  	v19 =	vmul.f32 v19, v17;
	v20 =	vmul.f32 v20, v18;
	_ =	sdelay $0x1  }
0x8a: {  	v19 =	vadd.f32 v20, v19;
	_ =	sdelay $0x1  }
0x8b: {  	[tilespmem:v7+s31+$0x0] =	vst.idx.msk $0xffff, v19  }
0x8c: {  	v19 =	vld [tilespmem:s14+$0x500]  }
0x8d: {  	v20 =	vld [tilespmem:s14+$0x4510]  }
0x8e: {  	v21 =	vld [tilespmem:s14+$0x510]  }
0x8f: {  	v22 =	vld [tilespmem:s14+$0x4500];
	_ =	sdelay $0x4  }
0x90: {  	v20 =	vmul.f32 v20, v21;
	v19 =	vmul.f32 v22, v19;
	_ =	sdelay $0x1  }
0x91: {  	v20 =	vmul.f32 v20, v18;
	v19 =	vmul.f32 v19, v17;
	_ =	sdelay $0x1  }
0x92: {  	v19 =	vadd.f32 v20, v19;
	_ =	sdelay $0x1  }
0x93: {  	[tilespmem:v8+s31+$0x0] =	vst.idx.msk $0xffff, v19  }
0x94: {  	v19 =	vld [tilespmem:s14+$0x520]  }
0x95: {  	v20 =	vld [tilespmem:s14+$0x530]  }
0x96: {  	v21 =	vld [tilespmem:s14+$0x4520]  }
0x97: {  	v22 =	vld [tilespmem:s14+$0x4530];
	_ =	sdelay $0x4  }
0x98: {  	v19 =	vmul.f32 v21, v19;
	v20 =	vmul.f32 v22, v20;
	_ =	sdelay $0x1  }
0x99: {  	v19 =	vmul.f32 v19, v17;
	v20 =	vmul.f32 v20, v18;
	_ =	sdelay $0x1  }
0x9a: {  	v19 =	vadd.f32 v20, v19;
	_ =	sdelay $0x1  }
0x9b: {  	[tilespmem:v9+s31+$0x0] =	vst.idx.msk $0xffff, v19  }
0x9c: {  	v19 =	vld [tilespmem:s14+$0x4540]  }
0x9d: {  	v20 =	vld [tilespmem:s14+$0x550]  }
0x9e: {  	v21 =	vld [tilespmem:s14+$0x540]  }
0x9f: {  	v22 =	vld [tilespmem:s14+$0x4550];
	_ =	sdelay $0x4  }
0xa0: {  	v19 =	vmul.f32 v19, v21;
	v20 =	vmul.f32 v22, v20;
	_ =	sdelay $0x1  }
0xa1: {  	v19 =	vmul.f32 v19, v17;
	v20 =	vmul.f32 v20, v18;
	_ =	sdelay $0x1  }
0xa2: {  	v19 =	vadd.f32 v20, v19;
	_ =	sdelay $0x1  }
0xa3: {  	[tilespmem:v10+s31+$0x0] =	vst.idx.msk $0xffff, v19  }
0xa4: {  	v19 =	vld [tilespmem:s14+$0x560]  }
0xa5: {  	v20 =	vld [tilespmem:s14+$0x4570]  }
0xa6: {  	v21 =	vld [tilespmem:s14+$0x570]  }
0xa7: {  	v22 =	vld [tilespmem:s14+$0x4560];
	_ =	sdelay $0x4  }
0xa8: {  	v20 =	vmul.f32 v20, v21;
	v19 =	vmul.f32 v22, v19;
	_ =	sdelay $0x1  }
0xa9: {  	v20 =	vmul.f32 v20, v18;
	v19 =	vmul.f32 v19, v17;
	_ =	sdelay $0x1  }
0xaa: {  	v19 =	vadd.f32 v20, v19;
	_ =	sdelay $0x1  }
0xab: {  	[tilespmem:v11+s31+$0x0] =	vst.idx.msk $0xffff, v19  }
0xac: {  	v19 =	vld [tilespmem:s14+$0x4580]  }
0xad: {  	v20 =	vld [tilespmem:s14+$0x4590]  }
0xae: {  	v21 =	vld [tilespmem:s14+$0x590]  }
0xaf: {  	v22 =	vld [tilespmem:s14+$0x580];
	_ =	sdelay $0x4  }
0xb0: {  	v20 =	vmul.f32 v20, v21;
	v19 =	vmul.f32 v19, v22;
	_ =	sdelay $0x1  }
0xb1: {  	v19 =	vmul.f32 v19, v17;
	v20 =	vmul.f32 v20, v18;
	_ =	sdelay $0x1  }
0xb2: {  	v19 =	vadd.f32 v20, v19;
	_ =	sdelay $0x1  }
0xb3: {  	[tilespmem:v12+s31+$0x0] =	vst.idx.msk $0xffff, v19  }
0xb4: {  	v19 =	vld [tilespmem:s14+$0x45B0]  }
0xb5: {  	v20 =	vld [tilespmem:s14+$0x5B0]  }
0xb6: {  	v21 =	vld [tilespmem:s14+$0x5A0]  }
0xb7: {  	v22 =	vld [tilespmem:s14+$0x45A0];
	_ =	sdelay $0x4  }
0xb8: {  	v19 =	vmul.f32 v19, v20;
	v20 =	vmul.f32 v22, v21;
	_ =	sdelay $0x1  }
0xb9: {  	v19 =	vmul.f32 v19, v18;
	v20 =	vmul.f32 v20, v17;
	_ =	sdelay $0x1  }
0xba: {  	v19 =	vadd.f32 v19, v20;
	_ =	sdelay $0x1  }
0xbb: {  	[tilespmem:v13+s31+$0x0] =	vst.idx.msk $0xffff, v19  }
0xbc: {  	v19 =	vld [tilespmem:s14+$0x45D0]  }
0xbd: {  	v20 =	vld [tilespmem:s14+$0x5D0]  }
0xbe: {  	v21 =	vld [tilespmem:s14+$0x45C0]  }
0xbf: {  	v22 =	vld [tilespmem:s14+$0x5C0];
	_ =	sdelay $0x4  }
0xc0: {  	v19 =	vmul.f32 v19, v20;
	v20 =	vmul.f32 v21, v22;
	_ =	sdelay $0x1  }
0xc1: {  	v19 =	vmul.f32 v19, v18;
	v20 =	vmul.f32 v20, v17;
	_ =	sdelay $0x1  }
0xc2: {  	v19 =	vadd.f32 v19, v20;
	_ =	sdelay $0x1  }
0xc3: {  	[tilespmem:v14+s31+$0x0] =	vst.idx.msk $0xffff, v19  }
0xc4: {  	v19 =	vld [tilespmem:s14+$0x5F0]  }
0xc5: {  	v20 =	vld [tilespmem:s14+$0x5E0]  }
0xc6: {  	v21 =	vld [tilespmem:s14+$0x45E0]  }
0xc7: {  	v22 =	vld [tilespmem:s14+$0x45F0];
	_ =	sdelay $0x4  }
0xc8: {  	v20 =	vmul.f32 v21, v20;
	v19 =	vmul.f32 v22, v19;
	_ =	sdelay $0x1  }
0xc9: {  	v20 =	vmul.f32 v20, v17;
	v19 =	vmul.f32 v19, v18;
	_ =	sdelay $0x1  }
0xca: {  	v19 =	vadd.f32 v19, v20;
	_ =	sdelay $0x1  }
0xcb: {  	[tilespmem:v15+s31+$0x0] =	vst.idx.msk $0xffff, v19  }
0xcc: {  	v19 =	vld [tilespmem:$0x8430]  }
0xcd: {  	v20 =	vld [tilespmem:$0x8440]  }
0xce: {  	v21 =	vld [tilespmem:$0x8450]  }
0xcf: {  	v22 =	vld [tilespmem:$0x8460]  }
0xd0: {  	v26 =	vld [tilespmem:$0x8470]  }
0xd1: {  	v27 =	vld [tilespmem:$0x8480]  }
0xd2: {  	v23 =	vld [tilespmem:$0x8490];
	v19 =	vadd.f32 v20, v19  }
0xd3: {  	v24 =	vld [tilespmem:$0x84B0]  }
0xd4: {  	v25 =	vld [tilespmem:$0x84D0];
	v19 =	vadd.f32 v21, v19  }
0xd5: {  	v20 =	vld [tilespmem:$0x84A0]  }
0xd6: {  	v21 =	vld [tilespmem:$0x84C0];
	v19 =	vadd.f32 v22, v19  }
0xd7: {  	v22 =	vld [tilespmem:$0x84E0]  }
0xd8: {  	v28 =	vadd.f32 v26, v19;
	v26 =	vld [tilespmem:$0x84F0]  }
0xd9: {  	v19 =	vld [tilespmem:$0x8500]  }
0xda: {  	s1 =	simm.s32 $0x8530;
	s2 =	simm.s32 $0x800;
	s13 =	simm.s32 $0x8530;
	v28 =	vadd.f32 v27, v28;
	v27 =	vld [tilespmem:$0x8510]  }
.LBB2_2:
0xdb: {  	p0 =	sne.s32 s2, $0xF800  }
0xdc: {  	v29 =	vld [tilespmem:$0x8520];
	s13 =	sadd.s32 $0x10, s13;
	s14 =	smov.u32 s2;
	s2 =	sadd.s32 $0x800, s2  }
0xdd: {  	v23 =	vadd.f32 v23, v28;
	_ =	sdelay $0x1  }
0xde: {  	v20 =	vadd.f32 v20, v23;
	_ =	sdelay $0x1  }
0xdf: {  	v20 =	vadd.f32 v24, v20;
	_ =	sdelay $0x1  }
0xe0: {  	v20 =	vadd.f32 v21, v20;
	_ =	sdelay $0x1  }
0xe1: {  	v20 =	vadd.f32 v25, v20;
	_ =	sdelay $0x1  }
0xe2: {  	v20 =	vadd.f32 v22, v20;
	_ =	sdelay $0x1  }
0xe3: {  	v20 =	vadd.f32 v26, v20;
	_ =	sdelay $0x1  }
0xe4: {  	v19 =	vadd.f32 v19, v20;
	_ =	sdelay $0x1  }
0xe5: {  	v19 =	vadd.f32 v27, v19;
	_ =	sdelay $0x1  }
0xe6: {  	v19 =	vadd.f32 v29, v19;
	_ =	sdelay $0x1  }
0xe7: {  	v19 =	vadd.f32 v19, v16;
	_ =	sdelay $0x1  }
0xe8: {  	v19 =	vsub.f32 $0.0e+00, v19;
	_ =	sdelay $0x1  }
0xe9: {  	v19 =	vmul.f32 $1.442695020e+00, v19;
	_ =	sdelay $0x1  }
0xea: {  	(erf) = vpow2.f32 v19;
	_ =	sdelay $0x8  }
0xeb: {  	v19 =	vpop (erf)  }
0xec: {  	v19 =	vadd.f32 $1.000000000e+00, v19;
	_ =	sdelay $0x1  }
0xed: {  	(erf) = vrcp.f32 v19;
	_ =	sdelay $0x8  }
0xee: {  	v19 =	vpop (erf)  }
0xef: {  	s14 =	sshra.s32 s14, $0x2;
	[tilespmem:s1+$0x0] =	vst v19;
	s1 =	smov.u32 s13  }
0xf0: {  	v19 =	vld [tilespmem:s14+$0x4410]  }
0xf1: {  	v20 =	vld [tilespmem:s14+$0x4400]  }
0xf2: {  	v21 =	vld [tilespmem:s14+$0x400]  }
0xf3: {  	v22 =	vld [tilespmem:s14+$0x410];
	_ =	sdelay $0x3  }
0xf4: {  	v20 =	vmul.f32 v20, v21  }
0xf5: {  	v19 =	vmul.f32 v19, v22  }
0xf6: {  	v20 =	vmul.f32 v20, v17  }
0xf7: {  	v19 =	vmul.f32 v19, v18;
	_ =	sdelay $0x1  }
0xf8: {  	v19 =	vadd.f32 v19, v20;
	_ =	sdelay $0x1  }
0xf9: {  	[tilespmem:v0+s31+$0x0] =	vst.idx.msk $0xffff, v19  }
0xfa: {  	v19 =	vld [tilespmem:s14+$0x4420]  }
0xfb: {  	v20 =	vld [tilespmem:s14+$0x430]  }
0xfc: {  	v21 =	vld [tilespmem:s14+$0x420]  }
0xfd: {  	v22 =	vld [tilespmem:s14+$0x4430];
	_ =	sdelay $0x3  }
0xfe: {  	v19 =	vmul.f32 v19, v21  }
0xff: {  	v20 =	vmul.f32 v22, v20  }
0x100: {  	v19 =	vmul.f32 v19, v17  }
0x101: {  	v20 =	vmul.f32 v20, v18;
	_ =	sdelay $0x1  }
0x102: {  	v19 =	vadd.f32 v20, v19;
	_ =	sdelay $0x1  }
0x103: {  	[tilespmem:v1+s31+$0x0] =	vst.idx.msk $0xffff, v19  }
0x104: {  	v19 =	vld [tilespmem:s14+$0x440]  }
0x105: {  	v20 =	vld [tilespmem:s14+$0x4450]  }
0x106: {  	v21 =	vld [tilespmem:s14+$0x450]  }
0x107: {  	v22 =	vld [tilespmem:s14+$0x4440];
	_ =	sdelay $0x3  }
0x108: {  	v20 =	vmul.f32 v20, v21  }
0x109: {  	v19 =	vmul.f32 v22, v19  }
0x10a: {  	v20 =	vmul.f32 v20, v18  }
0x10b: {  	v19 =	vmul.f32 v19, v17;
	_ =	sdelay $0x1  }
0x10c: {  	v19 =	vadd.f32 v20, v19;
	_ =	sdelay $0x1  }
0x10d: {  	[tilespmem:v2+s31+$0x0] =	vst.idx.msk $0xffff, v19  }
0x10e: {  	v19 =	vld [tilespmem:s14+$0x4460]  }
0x10f: {  	v20 =	vld [tilespmem:s14+$0x470]  }
0x110: {  	v21 =	vld [tilespmem:s14+$0x460]  }
0x111: {  	v22 =	vld [tilespmem:s14+$0x4470];
	_ =	sdelay $0x3  }
0x112: {  	v19 =	vmul.f32 v19, v21  }
0x113: {  	v20 =	vmul.f32 v22, v20  }
0x114: {  	v19 =	vmul.f32 v19, v17  }
0x115: {  	v20 =	vmul.f32 v20, v18;
	_ =	sdelay $0x1  }
0x116: {  	v19 =	vadd.f32 v20, v19;
	_ =	sdelay $0x1  }
0x117: {  	[tilespmem:v3+s31+$0x0] =	vst.idx.msk $0xffff, v19  }
0x118: {  	v19 =	vld [tilespmem:s14+$0x480]  }
0x119: {  	v20 =	vld [tilespmem:s14+$0x4490]  }
0x11a: {  	v21 =	vld [tilespmem:s14+$0x490]  }
0x11b: {  	v22 =	vld [tilespmem:s14+$0x4480];
	_ =	sdelay $0x3  }
0x11c: {  	v20 =	vmul.f32 v20, v21  }
0x11d: {  	v19 =	vmul.f32 v22, v19  }
0x11e: {  	v20 =	vmul.f32 v20, v18  }
0x11f: {  	v19 =	vmul.f32 v19, v17;
	_ =	sdelay $0x1  }
0x120: {  	v19 =	vadd.f32 v20, v19;
	_ =	sdelay $0x1  }
0x121: {  	[tilespmem:v4+s31+$0x0] =	vst.idx.msk $0xffff, v19  }
0x122: {  	v19 =	vld [tilespmem:s14+$0x44A0]  }
0x123: {  	v20 =	vld [tilespmem:s14+$0x4B0]  }
0x124: {  	v21 =	vld [tilespmem:s14+$0x4A0]  }
0x125: {  	v22 =	vld [tilespmem:s14+$0x44B0];
	_ =	sdelay $0x3  }
0x126: {  	v19 =	vmul.f32 v19, v21  }
0x127: {  	v20 =	vmul.f32 v22, v20  }
0x128: {  	v19 =	vmul.f32 v19, v17  }
0x129: {  	v20 =	vmul.f32 v20, v18;
	_ =	sdelay $0x1  }
0x12a: {  	v19 =	vadd.f32 v20, v19;
	_ =	sdelay $0x1  }
0x12b: {  	[tilespmem:v5+s31+$0x0] =	vst.idx.msk $0xffff, v19  }
0x12c: {  	v19 =	vld [tilespmem:s14+$0x4C0]  }
0x12d: {  	v20 =	vld [tilespmem:s14+$0x4D0]  }
0x12e: {  	v21 =	vld [tilespmem:s14+$0x44D0]  }
0x12f: {  	v22 =	vld [tilespmem:s14+$0x44C0];
	_ =	sdelay $0x3  }
0x130: {  	v20 =	vmul.f32 v21, v20  }
0x131: {  	v19 =	vmul.f32 v22, v19  }
0x132: {  	v20 =	vmul.f32 v20, v18  }
0x133: {  	v19 =	vmul.f32 v19, v17;
	_ =	sdelay $0x1  }
0x134: {  	v19 =	vadd.f32 v20, v19;
	_ =	sdelay $0x1  }
0x135: {  	[tilespmem:v6+s31+$0x0] =	vst.idx.msk $0xffff, v19  }
0x136: {  	v19 =	vld [tilespmem:s14+$0x44E0]  }
0x137: {  	v20 =	vld [tilespmem:s14+$0x4F0]  }
0x138: {  	v21 =	vld [tilespmem:s14+$0x4E0]  }
0x139: {  	v22 =	vld [tilespmem:s14+$0x44F0];
	_ =	sdelay $0x3  }
0x13a: {  	v19 =	vmul.f32 v19, v21  }
0x13b: {  	v20 =	vmul.f32 v22, v20  }
0x13c: {  	v19 =	vmul.f32 v19, v17  }
0x13d: {  	v20 =	vmul.f32 v20, v18;
	_ =	sdelay $0x1  }
0x13e: {  	v19 =	vadd.f32 v20, v19;
	_ =	sdelay $0x1  }
0x13f: {  	[tilespmem:v7+s31+$0x0] =	vst.idx.msk $0xffff, v19  }
0x140: {  	v19 =	vld [tilespmem:s14+$0x500]  }
0x141: {  	v20 =	vld [tilespmem:s14+$0x4510]  }
0x142: {  	v21 =	vld [tilespmem:s14+$0x510]  }
0x143: {  	v22 =	vld [tilespmem:s14+$0x4500];
	_ =	sdelay $0x3  }
0x144: {  	v20 =	vmul.f32 v20, v21  }
0x145: {  	v19 =	vmul.f32 v22, v19  }
0x146: {  	v20 =	vmul.f32 v20, v18  }
0x147: {  	v19 =	vmul.f32 v19, v17;
	_ =	sdelay $0x1  }
0x148: {  	v19 =	vadd.f32 v20, v19;
	_ =	sdelay $0x1  }
0x149: {  	[tilespmem:v8+s31+$0x0] =	vst.idx.msk $0xffff, v19  }
0x14a: {  	v19 =	vld [tilespmem:s14+$0x520]  }
0x14b: {  	v20 =	vld [tilespmem:s14+$0x530]  }
0x14c: {  	v21 =	vld [tilespmem:s14+$0x4520]  }
0x14d: {  	v22 =	vld [tilespmem:s14+$0x4530];
	_ =	sdelay $0x3  }
0x14e: {  	v19 =	vmul.f32 v21, v19  }
0x14f: {  	v20 =	vmul.f32 v22, v20  }
0x150: {  	v19 =	vmul.f32 v19, v17  }
0x151: {  	v20 =	vmul.f32 v20, v18;
	_ =	sdelay $0x1  }
0x152: {  	v19 =	vadd.f32 v20, v19;
	_ =	sdelay $0x1  }
0x153: {  	[tilespmem:v9+s31+$0x0] =	vst.idx.msk $0xffff, v19  }
0x154: {  	v19 =	vld [tilespmem:s14+$0x4540]  }
0x155: {  	v20 =	vld [tilespmem:s14+$0x550]  }
0x156: {  	v21 =	vld [tilespmem:s14+$0x540]  }
0x157: {  	v22 =	vld [tilespmem:s14+$0x4550];
	_ =	sdelay $0x3  }
0x158: {  	v19 =	vmul.f32 v19, v21  }
0x159: {  	v20 =	vmul.f32 v22, v20  }
0x15a: {  	v19 =	vmul.f32 v19, v17  }
0x15b: {  	v20 =	vmul.f32 v20, v18;
	_ =	sdelay $0x1  }
0x15c: {  	v19 =	vadd.f32 v20, v19;
	_ =	sdelay $0x1  }
0x15d: {  	[tilespmem:v10+s31+$0x0] =	vst.idx.msk $0xffff, v19  }
0x15e: {  	v19 =	vld [tilespmem:s14+$0x560]  }
0x15f: {  	v20 =	vld [tilespmem:s14+$0x4570]  }
0x160: {  	v21 =	vld [tilespmem:s14+$0x570]  }
0x161: {  	v22 =	vld [tilespmem:s14+$0x4560];
	_ =	sdelay $0x3  }
0x162: {  	v20 =	vmul.f32 v20, v21  }
0x163: {  	v19 =	vmul.f32 v22, v19  }
0x164: {  	v20 =	vmul.f32 v20, v18  }
0x165: {  	v19 =	vmul.f32 v19, v17;
	_ =	sdelay $0x1  }
0x166: {  	v19 =	vadd.f32 v20, v19;
	_ =	sdelay $0x1  }
0x167: {  	[tilespmem:v11+s31+$0x0] =	vst.idx.msk $0xffff, v19  }
0x168: {  	v19 =	vld [tilespmem:s14+$0x4580]  }
0x169: {  	v20 =	vld [tilespmem:s14+$0x4590]  }
0x16a: {  	v21 =	vld [tilespmem:s14+$0x590]  }
0x16b: {  	v22 =	vld [tilespmem:s14+$0x580];
	_ =	sdelay $0x3  }
0x16c: {  	v20 =	vmul.f32 v20, v21  }
0x16d: {  	v19 =	vmul.f32 v19, v22;
	_ =	sdelay $0x1  }
0x16e: {  	v20 =	vmul.f32 v20, v18;
	v19 =	vmul.f32 v19, v17;
	_ =	sdelay $0x1  }
0x16f: {  	v19 =	vadd.f32 v20, v19;
	_ =	sdelay $0x1  }
0x170: {  	[tilespmem:v12+s31+$0x0] =	vst.idx.msk $0xffff, v19  }
0x171: {  	v19 =	vld [tilespmem:s14+$0x45B0]  }
0x172: {  	v20 =	vld [tilespmem:s14+$0x5B0]  }
0x173: {  	v21 =	vld [tilespmem:s14+$0x5A0]  }
0x174: {  	v22 =	vld [tilespmem:s14+$0x45A0];
	_ =	sdelay $0x2  }
0x175: {  	v19 =	vmul.f32 v19, v20;
	_ =	sdelay $0x1  }
0x176: {  	v20 =	vmul.f32 v22, v21;
	v19 =	vmul.f32 v19, v18;
	_ =	sdelay $0x1  }
0x177: {  	v20 =	vmul.f32 v20, v17;
	_ =	sdelay $0x1  }
0x178: {  	v19 =	vadd.f32 v19, v20;
	_ =	sdelay $0x1  }
0x179: {  	[tilespmem:v13+s31+$0x0] =	vst.idx.msk $0xffff, v19  }
0x17a: {  	v19 =	vld [tilespmem:s14+$0x45D0]  }
0x17b: {  	v20 =	vld [tilespmem:s14+$0x5D0]  }
0x17c: {  	v21 =	vld [tilespmem:s14+$0x45C0]  }
0x17d: {  	v22 =	vld [tilespmem:s14+$0x5C0];
	_ =	sdelay $0x2  }
0x17e: {  	v19 =	vmul.f32 v19, v20;
	_ =	sdelay $0x1  }
0x17f: {  	v20 =	vmul.f32 v21, v22;
	v19 =	vmul.f32 v19, v18;
	_ =	sdelay $0x1  }
0x180: {  	v20 =	vmul.f32 v20, v17;
	_ =	sdelay $0x1  }
0x181: {  	v19 =	vadd.f32 v19, v20;
	_ =	sdelay $0x1  }
0x182: {  	[tilespmem:v14+s31+$0x0] =	vst.idx.msk $0xffff, v19  }
0x183: {  	v19 =	vld [tilespmem:s14+$0x5F0]  }
0x184: {  	v20 =	vld [tilespmem:s14+$0x5E0]  }
0x185: {  	v21 =	vld [tilespmem:s14+$0x45E0]  }
0x186: {  	v22 =	vld [tilespmem:s14+$0x45F0];
	_ =	sdelay $0x3  }
0x187: {  	v20 =	vmul.f32 v21, v20  }
0x188: {  	v19 =	vmul.f32 v22, v19  }
0x189: {  	v20 =	vmul.f32 v20, v17  }
0x18a: {  	v19 =	vmul.f32 v19, v18;
	_ =	sdelay $0x1  }
0x18b: {  	v19 =	vadd.f32 v19, v20;
	_ =	sdelay $0x1  }
0x18c: {  	[tilespmem:v15+s31+$0x0] =	vst.idx.msk $0xffff, v19  }
0x18d: {  	v19 =	vld [tilespmem:$0x8430]  }
0x18e: {  	v20 =	vld [tilespmem:$0x8440]  }
0x18f: {  	v21 =	vld [tilespmem:$0x8450]  }
0x190: {  	v22 =	vld [tilespmem:$0x8460]  }
0x191: {  	v26 =	vld [tilespmem:$0x8470]  }
0x192: {  	v27 =	vld [tilespmem:$0x8480]  }
0x193: {  	v19 =	vadd.f32 v20, v19;
	v23 =	vld [tilespmem:$0x8490]  }
0x194: {  	v20 =	vld [tilespmem:$0x84A0]  }
0x195: {  	v19 =	vadd.f32 v21, v19;
	v24 =	vld [tilespmem:$0x84B0]  }
0x196: {  	v21 =	vld [tilespmem:$0x84C0]  }
.Ltmp0:
0x197: {  	v19 =	vadd.f32 v22, v19;
	v25 =	vld [tilespmem:$0x84D0];
	(pc) =	sbr.rel @p0 .LBB2_2-.Ltmp0, $4  }
0x198: {  	v22 =	vld [tilespmem:$0x84E0]  }
0x199: {  	v28 =	vadd.f32 v26, v19;
	v26 =	vld [tilespmem:$0x84F0]  }
0x19a: {  	v19 =	vld [tilespmem:$0x8500]  }
0x19b: {  	v28 =	vadd.f32 v27, v28;
	v27 =	vld [tilespmem:$0x8510]  }
0x19c: {  	_ = 	snop  }
0x19d: {  	v17 =	vadd.f32 v23, v28;
	_ =	sdelay $0x1  }
0x19e: {  	v17 =	vadd.f32 v20, v17;
	_ =	sdelay $0x1  }
0x19f: {  	v17 =	vadd.f32 v24, v17;
	_ =	sdelay $0x1  }
0x1a0: {  	v17 =	vadd.f32 v21, v17;
	_ =	sdelay $0x1  }
0x1a1: {  	v17 =	vadd.f32 v25, v17;
	_ =	sdelay $0x1  }
0x1a2: {  	v17 =	vadd.f32 v22, v17;
	_ =	sdelay $0x1  }
0x1a3: {  	v17 =	vadd.f32 v26, v17  }
0x1a4: {  	v18 =	vld [tilespmem:$0x8520]  }
0x1a5: {  	v17 =	vadd.f32 v19, v17;
	_ =	sdelay $0x1  }
0x1a6: {  	v17 =	vadd.f32 v27, v17;
	_ =	sdelay $0x1  }
0x1a7: {  	v17 =	vadd.f32 v18, v17;
	_ =	sdelay $0x1  }
0x1a8: {  	v16 =	vadd.f32 v17, v16;
	_ =	sdelay $0x1  }
0x1a9: {  	v16 =	vsub.f32 $0.0e+00, v16;
	_ =	sdelay $0x1  }
0x1aa: {  	v16 =	vmul.f32 $1.442695020e+00, v16;
	_ =	sdelay $0x1  }
0x1ab: {  	(erf) = vpow2.f32 v16;
	_ =	sdelay $0x8  }
0x1ac: {  	v16 =	vpop (erf)  }
0x1ad: {  	v16 =	vadd.f32 $1.000000000e+00, v16;
	_ =	sdelay $0x1  }
0x1ae: {  	(erf) = vrcp.f32 v16;
	_ =	sdelay $0x7  }
0x1af: {  	s4 =	sadd.s32 $0x1, s4  }
0x1b0: {  	p0 =	sne.s32 s4, s10;
	v16 =	vpop (erf)  }
.Ltmp1:
0x1b1: {  	[tilespmem:s1+$0x0] =	vst v16;
	(pc) =	sbr.rel @p0 .LBB2_1-.Ltmp1, $4  }
0x1b2: {  	[hbm4b:s9+s3] =	stream.linear.scatter [tilespmem:s0], [sflag:$0x2], $0x200, $0x38;
	[tilespmem:$0x8730] =	vst v63  }
0x1b3: {  	_ =	swait.ge [sflag:s11], $0x200  }
0x1b4: {  	[sflag:s11] =	ssyncset.done $0x0  }
0x1b5: {  	[sflag:s11] =	ssyncadd.s32 $0xFFFFFE00  }
0x1b6: {  	_ =	sfence.sel $0x180000  }
0x1b7: {  	[bflag:$0x0] =	sbarrier.arrive $0xFFFF  }
0x1b8: {  	_ =	strace $0x90000047  }
0x1b9: {  	s0 =	stileid.u32;
	[bflag:$0x2] =	sbarrier.arrive $0xFFFF  }
0x1ba: {  	p0 =	sne.s32 s0, $0x0;
	s0 =	rddreg [dreg:$0x6]  }
0x1bb: {  	s0 =	sadd.s32 @!p0 $0x100000, s0  }
0x1bc: {  	[sflag:s0] =	ssyncadd.tile.s32 @!p0 $0x1;
	_ =	shalt  }
.Lfunc_end2:
_tile_overlayer_lowered:
.L_overlay_start_2:
0x1bd: {  	(tag) =	ssettag $0x2  }
0x1be: {  	s0 =	rddreg [dreg:$0x0];
	s2 =	stileid.u32  }
0x1bf: {  	s1 =	rddreg [dreg:$0x1];
	p0 =	sne.s32 s2, $0x0  }
0x1c0: {  	s3 =	rddreg [dreg:$0x2];
	[bflag:$0x3] =	sbarrier.arrive $0xFFFF;
	s2 =	simm.s32 @!p0 $0x1C02  }
0x1c1: {  	[timem:s3], [sflag:s2] =	dma.local @!p0 [hbm:s0], s1  }
0x1c2: {  	s0 =	simm.s32 @!p0 $0x2  }
0x1c3: {  	_ =	swait.ge @!p0 [sflag:s0], s1  }
0x1c4: {  	s1 =	ssub.s32 @!p0 $0x0, s1;
	[sflag:s0] =	ssyncset.done @!p0 $0x0  }
0x1c5: {  	[sflag:s0] =	ssyncadd.s32 @!p0 s1  }
0x1c6: {  	[bflag:$0x3] =	sbarrier.arrive $0xFFFF  }
0x1c7: {  	_ =	shalt  }

</sc_bundles>
